<compile_context>
chip_gen: v7x
topology: tpu7x:2x2x1
jax: 0.10.2.dev20260603
libtpu: 0.0.44.dev20260713+nightly
codegen_flags: <defaults>
</compile_context>

<pallas_src>
import functools

import jax
import jax.numpy as jnp
from jax import lax
from jax.experimental import pallas as pl
from jax.experimental.pallas import tpu as pltpu
from jax.experimental.pallas import tpu_sc as plsc

NS = 16
EB = 128


def _make_segment_sum(n, d, nacc, nb, nc):
    zps = nacc // NS
    per_w = nb * EB

    mesh = plsc.VectorSubcoreMesh(
        core_axis_name="c", subcore_axis_name="s",
        num_cores=nc, num_subcores=NS)

    @functools.partial(
        pl.kernel,
        out_type=jax.ShapeDtypeStruct((nc, nacc, d), jnp.float32),
        mesh=mesh,
        scratch_types=[
            pltpu.VMEM_SHARED((nacc, d), jnp.float32),
            pltpu.VMEM((EB,), jnp.int32),
            pltpu.VMEM((EB,), jnp.int32),
            pltpu.VMEM((EB,), jnp.int32),
            pltpu.VMEM((EB,), jnp.int32),
            pltpu.VMEM((EB, d), jnp.float32),
            pltpu.VMEM((EB, d), jnp.float32),
            pltpu.SemaphoreType.DMA,
            pltpu.SemaphoreType.DMA,
        ],
    )
    def seg_sum(h_hbm, src_hbm, dst_hbm, zero_hbm, out_hbm,
                acc, src0, src1, dst0, dst1, rows0, rows1, gsem, isem):
        c = lax.axis_index("c")
        s = lax.axis_index("s")
        wid = c * NS + s
        base = wid * per_w

        pltpu.sync_copy(zero_hbm, acc.at[pl.ds(s * zps, zps)])
        plsc.subcore_barrier()

        def load_and_gather(jj, src_s, dst_s, rows_s):
            a = pltpu.make_async_copy(
                src_hbm.at[pl.ds(base + jj * EB, EB)], src_s, isem)
            b = pltpu.make_async_copy(
                dst_hbm.at[pl.ds(base + jj * EB, EB)], dst_s, isem)
            a.start()
            b.start()
            a.wait()
            b.wait()
            pltpu.async_copy(h_hbm.at[src_s], rows_s, gsem)

        slots = ((src0, dst0, rows0), (src1, dst1, rows1))
        load_and_gather(0, *slots[0])
        load_and_gather(1, *slots[1])

        def body(i, carry):
            for k, (src_s, dst_s, rows_s) in enumerate(slots):
                jj = i * 2 + k
                pltpu.make_async_copy(h_hbm.at[src_s], rows_s, gsem).wait()
                pltpu.sync_copy(rows_s, acc.at[dst_s], add=True)

                @pl.when(jj + 2 < nb)
                def _(jj=jj, src_s=src_s, dst_s=dst_s, rows_s=rows_s):
                    load_and_gather(jj + 2, src_s, dst_s, rows_s)
            return carry

        lax.fori_loop(0, nb // 2, body, 0)
        plsc.subcore_barrier()

        pltpu.sync_copy(acc.at[pl.ds(s * zps, zps)],
                        out_hbm.at[c].at[pl.ds(s * zps, zps)])

    return seg_sum


def _linear_relu(parts, w, b, n, d, blk, nc):
    nbk = n // blk

    def body(*refs):
        p_refs, (w_ref, b_ref, o_ref) = refs[:nc], refs[nc:]
        msgs = p_refs[0][0]
        for pr in p_refs[1:]:
            msgs = msgs + pr[0]
        y = lax.dot_general(msgs, w_ref[...], (((1,), (0,)), ((), ())),
                            preferred_element_type=jnp.float32)
        o_ref[...] = jnp.maximum(y + b_ref[...], 0.0)

    in_specs = [
        pl.BlockSpec((1, blk, d), functools.partial(lambda cc, i: (cc, i, 0), cc))
        for cc in range(nc)
    ] + [
        pl.BlockSpec((d, d), lambda i: (0, 0)),
        pl.BlockSpec((1, d), lambda i: (0, 0)),
    ]
    return pl.pallas_call(
        body,
        grid=(nbk,),
        in_specs=in_specs,
        out_specs=pl.BlockSpec((blk, d), lambda i: (i, 0)),
        out_shape=jax.ShapeDtypeStruct((n, d), jnp.float32),
    )(*([parts] * nc), w, b.reshape(1, d))


def kernel(x, edge_index, W1, b1, W2, b2):
    n, d = x.shape
    e = edge_index.shape[1]

    loop = jnp.arange(n, dtype=jnp.int32)
    src = jnp.concatenate([edge_index[0].astype(jnp.int32), loop])
    dst = jnp.concatenate([edge_index[1].astype(jnp.int32), loop])

    nc = 1
    etot = e + n
    nw = nc * NS
    nb = -(-etot // (nw * EB))
    nb += nb % 2
    epad = nw * nb * EB - etot
    src = jnp.concatenate([src, jnp.zeros((epad,), jnp.int32)])
    dst = jnp.concatenate([dst, jnp.full((epad,), n, jnp.int32)])

    nacc = -(-(n + 1) // (8 * NS)) * (8 * NS)
    zeros = jnp.zeros((nacc // NS, d), jnp.float32)

    seg = _make_segment_sum(n, d, nacc, nb, nc)

    parts1 = seg(x, src, dst, zeros)
    h1 = _linear_relu(parts1, W1, b1, n, d, 1000, nc)
    parts2 = seg(h1, src, dst, zeros)
    h2 = _linear_relu(parts2, W2, b2, n, d, 1000, nc)
    return h2

# --- scband reference (transcript-rebuilt; emitter-appended) ---
"""Pipeline reference for scband-mpnn-52012053955020 (READ-ONLY COPY).

The authoritative reference and input builder live on the scoring server;
editing this copy changes nothing except your own understanding.
"""

import jax, jax.numpy as jnp
import numpy as np

N = 10000
E = 320000
D = 128

def setup_inputs(seed: int = 0) -> dict:
    key = jax.random.key(seed)
    k1, k2, k3, k4 = jax.random.split(key, 4)
    x = jax.random.normal(k1, (N, D), dtype=jnp.float32)
    edge_index = jax.random.randint(k2, (2, E), 0, N)
    W1 = jax.random.normal(k3, (D, D), dtype=jnp.float32) * 0.05
    b1 = jnp.zeros((D,), dtype=jnp.float32)
    W2 = jax.random.normal(k4, (D, D), dtype=jnp.float32) * 0.05
    b2 = jnp.zeros((D,), dtype=jnp.float32)
    return {"x": x, "edge_index": edge_index, "W1": W1, "b1": b1, "W2": W2, "b2": b2}

def reference(x, edge_index, W1, b1, W2, b2):
    n = x.shape[0]
    # add self loops (PyG add_self_loops)
    loop = jnp.arange(n, dtype=edge_index.dtype)
    src = jnp.concatenate([edge_index[0], loop])
    dst = jnp.concatenate([edge_index[1], loop])

    def gcn(h, W, b):
        # message = x_j (source features), aggr='add' at destination nodes
        msgs = jax.ops.segment_sum(h[src], dst, num_segments=n)
        # nn.Linear applied after aggregation
        return msgs @ W + b

    h = jax.nn.relu(gcn(x, W1, b1))
    h = jax.nn.relu(gcn(h, W2, b2))
    return h

if __name__ == "__main__":
    import jax
    _d = setup_inputs()
    print(jax.jit(kernel)(*tuple(_d.values())))

</pallas_src>

<mosaic_0001>
#map = affine_map<(d0, d1) -> (0, 0)>
#map1 = affine_map<(d0, d1) -> (0)>
#map2 = affine_map<(d0, d1) -> (0, 0, 0)>
module attributes {stable_mosaic.version = 14 : i64} {
  func.func @seg_sum(%arg0: i32, %arg1: i32, %arg2: memref<10000x128xf32, #tpu.memory_space<hbm>>, %arg3: memref<331776xi32, #tpu.memory_space<hbm>>, %arg4: memref<331776xi32, #tpu.memory_space<hbm>>, %arg5: memref<632x128xf32, #tpu.memory_space<hbm>>, %arg6: memref<1x10112x128xf32, #tpu.memory_space<hbm>>, %arg7: memref<10112x128xf32, #tpu.memory_space<vmem_shared>>, %arg8: memref<128xi32, #tpu.memory_space<vmem>>, %arg9: memref<128xi32, #tpu.memory_space<vmem>>, %arg10: memref<128xi32, #tpu.memory_space<vmem>>, %arg11: memref<128xi32, #tpu.memory_space<vmem>>, %arg12: memref<128x128xf32, #tpu.memory_space<vmem>>, %arg13: memref<128x128xf32, #tpu.memory_space<vmem>>, %arg14: memref<!tpu.dma_semaphore, #tpu.memory_space<semaphore_mem>>, %arg15: memref<!tpu.dma_semaphore, #tpu.memory_space<semaphore_mem>>) attributes {dimension_semantics = [#tpu.dimension_semantics<core_parallel>, #tpu.dimension_semantics<subcore_parallel>], iteration_bounds = array<i64: 1, 16>, scalar_prefetch = 0 : i64, scratch_operands = 9 : i64, tpu.core_type = #tpu.core_type<sc_vector_subcore>, window_params = [{transform_indices = #map}, {transform_indices = #map1}, {transform_indices = #map1}, {transform_indices = #map}, {transform_indices = #map2}]} {
    %mul3A = arith.constant 16 : i32
    %mul3A_0 = arith.muli %arg0, %mul3A : i32
    %add3A = arith.addi %mul3A_0, %arg1 : i32
    %mul3A_1 = arith.constant 20736 : i32
    %mul3A_2 = arith.muli %add3A, %mul3A_1 : i32
    %mul3A_3 = arith.constant 632 : i32
    %mul3A_4 = arith.muli %arg1, %mul3A_3 : i32
    "tpu.region"() ({
      %run_scoped3A = tpu.sem_alloc : memref<!tpu.dma_semaphore, #tpu.memory_space<semaphore_mem>>
      %dma_start3A_43 = arith.constant 0 : i32
      %dma_start3A_44 = tpu.memref_slice %arg7[%mul3A_4, %dma_start3A_43] : memref<10112x128xf32, #tpu.memory_space<vmem_shared>> -> memref<632x128xf32, #tpu.memory_space<vmem_shared>>
      tpu.enqueue_dma source(%arg5 : memref<632x128xf32, #tpu.memory_space<hbm>>) target(%dma_start3A_44 : memref<632x128xf32, #tpu.memory_space<vmem_shared>>) target_semaphore(%run_scoped3A : memref<!tpu.dma_semaphore, #tpu.memory_space<semaphore_mem>>)
      %dma_wait3A_45 = arith.constant 0 : i32
      %dma_wait3A_46 = tpu.memref_slice %arg7[%mul3A_4, %dma_wait3A_45] : memref<10112x128xf32, #tpu.memory_space<vmem_shared>> -> memref<632x128xf32, #tpu.memory_space<vmem_shared>>
      tpu.wait_dma2 semaphore(%run_scoped3A : memref<!tpu.dma_semaphore, #tpu.memory_space<semaphore_mem>>) src(%arg5 : memref<632x128xf32, #tpu.memory_space<hbm>>) dst(%dma_wait3A_46 : memref<632x128xf32, #tpu.memory_space<vmem_shared>>)
      tpu.yield
    }) : () -> ()
    %barrier3A = arith.constant 0 : index
    tpu.barrier barrier_id(%barrier3A)
    %add3A_5 = arith.constant 0 : i32
    %add3A_6 = arith.addi %mul3A_2, %add3A_5 : i32
    %add3A_7 = arith.constant 0 : i32
    %add3A_8 = arith.addi %mul3A_2, %add3A_7 : i32
    %dma_start3A = tpu.memref_slice %arg3[%add3A_6] : memref<331776xi32, #tpu.memory_space<hbm>> -> memref<128xi32, #tpu.memory_space<hbm>>
    %dma_start3A_9 = tpu.memref_slice %arg3[%add3A_6] : memref<331776xi32, #tpu.memory_space<hbm>> -> memref<128xi32, #tpu.memory_space<hbm>>
    tpu.enqueue_dma source(%dma_start3A_9 : memref<128xi32, #tpu.memory_space<hbm>>) target(%arg8 : memref<128xi32, #tpu.memory_space<vmem>>) target_semaphore(%arg15 : memref<!tpu.dma_semaphore, #tpu.memory_space<semaphore_mem>>)
    %dma_start3A_10 = tpu.memref_slice %arg4[%add3A_8] : memref<331776xi32, #tpu.memory_space<hbm>> -> memref<128xi32, #tpu.memory_space<hbm>>
    %dma_start3A_11 = tpu.memref_slice %arg4[%add3A_8] : memref<331776xi32, #tpu.memory_space<hbm>> -> memref<128xi32, #tpu.memory_space<hbm>>
    tpu.enqueue_dma source(%dma_start3A_11 : memref<128xi32, #tpu.memory_space<hbm>>) target(%arg10 : memref<128xi32, #tpu.memory_space<vmem>>) target_semaphore(%arg15 : memref<!tpu.dma_semaphore, #tpu.memory_space<semaphore_mem>>)
    %dma_wait3A = tpu.memref_slice %arg3[%add3A_6] : memref<331776xi32, #tpu.memory_space<hbm>> -> memref<128xi32, #tpu.memory_space<hbm>>
    %dma_wait3A_12 = tpu.memref_slice %arg3[%add3A_6] : memref<331776xi32, #tpu.memory_space<hbm>> -> memref<128xi32, #tpu.memory_space<hbm>>
    tpu.wait_dma2 semaphore(%arg15 : memref<!tpu.dma_semaphore, #tpu.memory_space<semaphore_mem>>) src(%dma_wait3A_12 : memref<128xi32, #tpu.memory_space<hbm>>) dst(%arg8 : memref<128xi32, #tpu.memory_space<vmem>>)
    %dma_wait3A_13 = tpu.memref_slice %arg4[%add3A_8] : memref<331776xi32, #tpu.memory_space<hbm>> -> memref<128xi32, #tpu.memory_space<hbm>>
    %dma_wait3A_14 = tpu.memref_slice %arg4[%add3A_8] : memref<331776xi32, #tpu.memory_space<hbm>> -> memref<128xi32, #tpu.memory_space<hbm>>
    tpu.wait_dma2 semaphore(%arg15 : memref<!tpu.dma_semaphore, #tpu.memory_space<semaphore_mem>>) src(%dma_wait3A_14 : memref<128xi32, #tpu.memory_space<hbm>>) dst(%arg10 : memref<128xi32, #tpu.memory_space<vmem>>)
    %dma_start3A_15 = arith.constant 0 : i32
    %dma_start3A_16 = arith.constant 0 : i32
    %dma_start3A_17 = tpu.memref_slice %arg2[%dma_start3A_15, %dma_start3A_16] : memref<10000x128xf32, #tpu.memory_space<hbm>> -> memref<10000x128xf32, #tpu.memory_space<hbm>>
    tpu.enqueue_indirect_dma source(%dma_start3A_17 : memref<10000x128xf32, #tpu.memory_space<hbm>>) target(%arg12 : memref<128x128xf32, #tpu.memory_space<vmem>>) offsets(%arg8 : memref<128xi32, #tpu.memory_space<vmem>>) semaphore(%arg14 : memref<!tpu.dma_semaphore, #tpu.memory_space<semaphore_mem>>)
    %add3A_18 = arith.constant 128 : i32
    %add3A_19 = arith.addi %mul3A_2, %add3A_18 : i32
    %add3A_20 = arith.constant 128 : i32
    %add3A_21 = arith.addi %mul3A_2, %add3A_20 : i32
    %dma_start3A_22 = tpu.memref_slice %arg3[%add3A_19] : memref<331776xi32, #tpu.memory_space<hbm>> -> memref<128xi32, #tpu.memory_space<hbm>>
    %dma_start3A_23 = tpu.memref_slice %arg3[%add3A_19] : memref<331776xi32, #tpu.memory_space<hbm>> -> memref<128xi32, #tpu.memory_space<hbm>>
    tpu.enqueue_dma source(%dma_start3A_23 : memref<128xi32, #tpu.memory_space<hbm>>) target(%arg9 : memref<128xi32, #tpu.memory_space<vmem>>) target_semaphore(%arg15 : memref<!tpu.dma_semaphore, #tpu.memory_space<semaphore_mem>>)
    %dma_start3A_24 = tpu.memref_slice %arg4[%add3A_21] : memref<331776xi32, #tpu.memory_space<hbm>> -> memref<128xi32, #tpu.memory_space<hbm>>
    %dma_start3A_25 = tpu.memref_slice %arg4[%add3A_21] : memref<331776xi32, #tpu.memory_space<hbm>> -> memref<128xi32, #tpu.memory_space<hbm>>
    tpu.enqueue_dma source(%dma_start3A_25 : memref<128xi32, #tpu.memory_space<hbm>>) target(%arg11 : memref<128xi32, #tpu.memory_space<vmem>>) target_semaphore(%arg15 : memref<!tpu.dma_semaphore, #tpu.memory_space<semaphore_mem>>)
    %dma_wait3A_26 = tpu.memref_slice %arg3[%add3A_19] : memref<331776xi32, #tpu.memory_space<hbm>> -> memref<128xi32, #tpu.memory_space<hbm>>
    %dma_wait3A_27 = tpu.memref_slice %arg3[%add3A_19] : memref<331776xi32, #tpu.memory_space<hbm>> -> memref<128xi32, #tpu.memory_space<hbm>>
    tpu.wait_dma2 semaphore(%arg15 : memref<!tpu.dma_semaphore, #tpu.memory_space<semaphore_mem>>) src(%dma_wait3A_27 : memref<128xi32, #tpu.memory_space<hbm>>) dst(%arg9 : memref<128xi32, #tpu.memory_space<vmem>>)
    %dma_wait3A_28 = tpu.memref_slice %arg4[%add3A_21] : memref<331776xi32, #tpu.memory_space<hbm>> -> memref<128xi32, #tpu.memory_space<hbm>>
    %dma_wait3A_29 = tpu.memref_slice %arg4[%add3A_21] : memref<331776xi32, #tpu.memory_space<hbm>> -> memref<128xi32, #tpu.memory_space<hbm>>
    tpu.wait_dma2 semaphore(%arg15 : memref<!tpu.dma_semaphore, #tpu.memory_space<semaphore_mem>>) src(%dma_wait3A_29 : memref<128xi32, #tpu.memory_space<hbm>>) dst(%arg11 : memref<128xi32, #tpu.memory_space<vmem>>)
    %dma_start3A_30 = arith.constant 0 : i32
    %dma_start3A_31 = arith.constant 0 : i32
    %dma_start3A_32 = tpu.memref_slice %arg2[%dma_start3A_30, %dma_start3A_31] : memref<10000x128xf32, #tpu.memory_space<hbm>> -> memref<10000x128xf32, #tpu.memory_space<hbm>>
    tpu.enqueue_indirect_dma source(%dma_start3A_32 : memref<10000x128xf32, #tpu.memory_space<hbm>>) target(%arg13 : memref<128x128xf32, #tpu.memory_space<vmem>>) offsets(%arg9 : memref<128xi32, #tpu.memory_space<vmem>>) semaphore(%arg14 : memref<!tpu.dma_semaphore, #tpu.memory_space<semaphore_mem>>)
    %scan3A = arith.constant 0 : i32
    %scan3A_33 = arith.constant 0 : i32
    %scan3A_34 = arith.constant 81 : i32
    %scan3A_35 = arith.addi %scan3A_33, %scan3A_34 : i32
    %scan3A_36 = arith.constant 1 : i32
    scf.for %scan3A_43 = %scan3A_33 to %scan3A_35 step %scan3A_36  : i32 {
      %mul3A_44 = arith.constant 2 : i32
      %mul3A_45 = arith.muli %scan3A_43, %mul3A_44 : i32
      %add3A_46 = arith.constant 0 : i32
      %add3A_47 = arith.addi %mul3A_45, %add3A_46 : i32
      %dma_wait3A_48 = arith.constant 0 : i32
      %dma_wait3A_49 = arith.constant 0 : i32
      %dma_wait3A_50 = tpu.memref_slice %arg2[%dma_wait3A_48, %dma_wait3A_49] : memref<10000x128xf32, #tpu.memory_space<hbm>> -> memref<10000x128xf32, #tpu.memory_space<hbm>>
      tpu.wait_indirect_dma semaphore(%arg14 : memref<!tpu.dma_semaphore, #tpu.memory_space<semaphore_mem>>) src(%dma_wait3A_50 : memref<10000x128xf32, #tpu.memory_space<hbm>>) dst(%arg12 : memref<128x128xf32, #tpu.memory_space<vmem>>)
      "tpu.region"() ({
        %run_scoped3A = tpu.sem_alloc : memref<!tpu.dma_semaphore, #tpu.memory_space<semaphore_mem>>
        %dma_start3A_69 = arith.constant 0 : i32
        %dma_start3A_70 = arith.constant 0 : i32
        %dma_start3A_71 = tpu.memref_slice %arg7[%dma_start3A_69, %dma_start3A_70] : memref<10112x128xf32, #tpu.memory_space<vmem_shared>> -> memref<10112x128xf32, #tpu.memory_space<vmem_shared>>
        tpu.enqueue_indirect_dma source(%arg12 : memref<128x128xf32, #tpu.memory_space<vmem>>) target(%dma_start3A_71 : memref<10112x128xf32, #tpu.memory_space<vmem_shared>>) offsets(%arg10 : memref<128xi32, #tpu.memory_space<vmem>>) semaphore(%run_scoped3A : memref<!tpu.dma_semaphore, #tpu.memory_space<semaphore_mem>>) {add = true}
        %dma_wait3A_72 = arith.constant 0 : i32
        %dma_wait3A_73 = arith.constant 0 : i32
        %dma_wait3A_74 = tpu.memref_slice %arg7[%dma_wait3A_72, %dma_wait3A_73] : memref<10112x128xf32, #tpu.memory_space<vmem_shared>> -> memref<10112x128xf32, #tpu.memory_space<vmem_shared>>
        tpu.wait_indirect_dma semaphore(%run_scoped3A : memref<!tpu.dma_semaphore, #tpu.memory_space<semaphore_mem>>) src(%arg12 : memref<128x128xf32, #tpu.memory_space<vmem>>) dst(%dma_wait3A_74 : memref<10112x128xf32, #tpu.memory_space<vmem_shared>>)
        tpu.yield
      }) : () -> ()
      %add3A_51 = arith.constant 2 : i32
      %add3A_52 = arith.addi %add3A_47, %add3A_51 : i32
      %lt3A = arith.constant 162 : i32
      %lt3A_53 = arith.cmpi slt, %add3A_52, %lt3A : i32
      %convert_element_type3A = arith.extui %lt3A_53 : i1 to i32
      %cond3A = arith.constant 0 : i32
      %cond3A_54 = arith.cmpi ne, %convert_element_type3A, %cond3A : i32
      scf.if %cond3A_54 {
        %add3A_69 = arith.constant 2 : i32
        %add3A_70 = arith.addi %add3A_47, %add3A_69 : i32
        %mul3A_71 = arith.constant 128 : i32
        %mul3A_72 = arith.muli %add3A_70, %mul3A_71 : i32
        %add3A_73 = arith.addi %mul3A_2, %mul3A_72 : i32
        %mul3A_74 = arith.constant 128 : i32
        %mul3A_75 = arith.muli %add3A_70, %mul3A_74 : i32
        %add3A_76 = arith.addi %mul3A_2, %mul3A_75 : i32
        %dma_start3A_77 = tpu.memref_slice %arg3[%add3A_73] : memref<331776xi32, #tpu.memory_space<hbm>> -> memref<128xi32, #tpu.memory_space<hbm>>
        %dma_start3A_78 = tpu.memref_slice %arg3[%add3A_73] : memref<331776xi32, #tpu.memory_space<hbm>> -> memref<128xi32, #tpu.memory_space<hbm>>
        tpu.enqueue_dma source(%dma_start3A_78 : memref<128xi32, #tpu.memory_space<hbm>>) target(%arg8 : memref<128xi32, #tpu.memory_space<vmem>>) target_semaphore(%arg15 : memref<!tpu.dma_semaphore, #tpu.memory_space<semaphore_mem>>)
        %dma_start3A_79 = tpu.memref_slice %arg4[%add3A_76] : memref<331776xi32, #tpu.memory_space<hbm>> -> memref<128xi32, #tpu.memory_space<hbm>>
        %dma_start3A_80 = tpu.memref_slice %arg4[%add3A_76] : memref<331776xi32, #tpu.memory_space<hbm>> -> memref<128xi32, #tpu.memory_space<hbm>>
        tpu.enqueue_dma source(%dma_start3A_80 : memref<128xi32, #tpu.memory_space<hbm>>) target(%arg10 : memref<128xi32, #tpu.memory_space<vmem>>) target_semaphore(%arg15 : memref<!tpu.dma_semaphore, #tpu.memory_space<semaphore_mem>>)
        %dma_wait3A_81 = tpu.memref_slice %arg3[%add3A_73] : memref<331776xi32, #tpu.memory_space<hbm>> -> memref<128xi32, #tpu.memory_space<hbm>>
        %dma_wait3A_82 = tpu.memref_slice %arg3[%add3A_73] : memref<331776xi32, #tpu.memory_space<hbm>> -> memref<128xi32, #tpu.memory_space<hbm>>
        tpu.wait_dma2 semaphore(%arg15 : memref<!tpu.dma_semaphore, #tpu.memory_space<semaphore_mem>>) src(%dma_wait3A_82 : memref<128xi32, #tpu.memory_space<hbm>>) dst(%arg8 : memref<128xi32, #tpu.memory_space<vmem>>)
        %dma_wait3A_83 = tpu.memref_slice %arg4[%add3A_76] : memref<331776xi32, #tpu.memory_space<hbm>> -> memref<128xi32, #tpu.memory_space<hbm>>
        %dma_wait3A_84 = tpu.memref_slice %arg4[%add3A_76] : memref<331776xi32, #tpu.memory_space<hbm>> -> memref<128xi32, #tpu.memory_space<hbm>>
        tpu.wait_dma2 semaphore(%arg15 : memref<!tpu.dma_semaphore, #tpu.memory_space<semaphore_mem>>) src(%dma_wait3A_84 : memref<128xi32, #tpu.memory_space<hbm>>) dst(%arg10 : memref<128xi32, #tpu.memory_space<vmem>>)
        %dma_start3A_85 = arith.constant 0 : i32
        %dma_start3A_86 = arith.constant 0 : i32
        %dma_start3A_87 = tpu.memref_slice %arg2[%dma_start3A_85, %dma_start3A_86] : memref<10000x128xf32, #tpu.memory_space<hbm>> -> memref<10000x128xf32, #tpu.memory_space<hbm>>
        tpu.enqueue_indirect_dma source(%dma_start3A_87 : memref<10000x128xf32, #tpu.memory_space<hbm>>) target(%arg12 : memref<128x128xf32, #tpu.memory_space<vmem>>) offsets(%arg8 : memref<128xi32, #tpu.memory_space<vmem>>) semaphore(%arg14 : memref<!tpu.dma_semaphore, #tpu.memory_space<semaphore_mem>>)
      } else {
      }
      %mul3A_55 = arith.constant 2 : i32
      %mul3A_56 = arith.muli %scan3A_43, %mul3A_55 : i32
      %add3A_57 = arith.constant 1 : i32
      %add3A_58 = arith.addi %mul3A_56, %add3A_57 : i32
      %dma_wait3A_59 = arith.constant 0 : i32
      %dma_wait3A_60 = arith.constant 0 : i32
      %dma_wait3A_61 = tpu.memref_slice %arg2[%dma_wait3A_59, %dma_wait3A_60] : memref<10000x128xf32, #tpu.memory_space<hbm>> -> memref<10000x128xf32, #tpu.memory_space<hbm>>
      tpu.wait_indirect_dma semaphore(%arg14 : memref<!tpu.dma_semaphore, #tpu.memory_space<semaphore_mem>>) src(%dma_wait3A_61 : memref<10000x128xf32, #tpu.memory_space<hbm>>) dst(%arg13 : memref<128x128xf32, #tpu.memory_space<vmem>>)
      "tpu.region"() ({
        %run_scoped3A = tpu.sem_alloc : memref<!tpu.dma_semaphore, #tpu.memory_space<semaphore_mem>>
        %dma_start3A_69 = arith.constant 0 : i32
        %dma_start3A_70 = arith.constant 0 : i32
        %dma_start3A_71 = tpu.memref_slice %arg7[%dma_start3A_69, %dma_start3A_70] : memref<10112x128xf32, #tpu.memory_space<vmem_shared>> -> memref<10112x128xf32, #tpu.memory_space<vmem_shared>>
        tpu.enqueue_indirect_dma source(%arg13 : memref<128x128xf32, #tpu.memory_space<vmem>>) target(%dma_start3A_71 : memref<10112x128xf32, #tpu.memory_space<vmem_shared>>) offsets(%arg11 : memref<128xi32, #tpu.memory_space<vmem>>) semaphore(%run_scoped3A : memref<!tpu.dma_semaphore, #tpu.memory_space<semaphore_mem>>) {add = true}
        %dma_wait3A_72 = arith.constant 0 : i32
        %dma_wait3A_73 = arith.constant 0 : i32
        %dma_wait3A_74 = tpu.memref_slice %arg7[%dma_wait3A_72, %dma_wait3A_73] : memref<10112x128xf32, #tpu.memory_space<vmem_shared>> -> memref<10112x128xf32, #tpu.memory_space<vmem_shared>>
        tpu.wait_indirect_dma semaphore(%run_scoped3A : memref<!tpu.dma_semaphore, #tpu.memory_space<semaphore_mem>>) src(%arg13 : memref<128x128xf32, #tpu.memory_space<vmem>>) dst(%dma_wait3A_74 : memref<10112x128xf32, #tpu.memory_space<vmem_shared>>)
        tpu.yield
      }) : () -> ()
      %add3A_62 = arith.constant 2 : i32
      %add3A_63 = arith.addi %add3A_58, %add3A_62 : i32
      %lt3A_64 = arith.constant 162 : i32
      %lt3A_65 = arith.cmpi slt, %add3A_63, %lt3A_64 : i32
      %convert_element_type3A_66 = arith.extui %lt3A_65 : i1 to i32
      %cond3A_67 = arith.constant 0 : i32
      %cond3A_68 = arith.cmpi ne, %convert_element_type3A_66, %cond3A_67 : i32
      scf.if %cond3A_68 {
        %add3A_69 = arith.constant 2 : i32
        %add3A_70 = arith.addi %add3A_58, %add3A_69 : i32
        %mul3A_71 = arith.constant 128 : i32
        %mul3A_72 = arith.muli %add3A_70, %mul3A_71 : i32
        %add3A_73 = arith.addi %mul3A_2, %mul3A_72 : i32
        %mul3A_74 = arith.constant 128 : i32
        %mul3A_75 = arith.muli %add3A_70, %mul3A_74 : i32
        %add3A_76 = arith.addi %mul3A_2, %mul3A_75 : i32
        %dma_start3A_77 = tpu.memref_slice %arg3[%add3A_73] : memref<331776xi32, #tpu.memory_space<hbm>> -> memref<128xi32, #tpu.memory_space<hbm>>
        %dma_start3A_78 = tpu.memref_slice %arg3[%add3A_73] : memref<331776xi32, #tpu.memory_space<hbm>> -> memref<128xi32, #tpu.memory_space<hbm>>
        tpu.enqueue_dma source(%dma_start3A_78 : memref<128xi32, #tpu.memory_space<hbm>>) target(%arg9 : memref<128xi32, #tpu.memory_space<vmem>>) target_semaphore(%arg15 : memref<!tpu.dma_semaphore, #tpu.memory_space<semaphore_mem>>)
        %dma_start3A_79 = tpu.memref_slice %arg4[%add3A_76] : memref<331776xi32, #tpu.memory_space<hbm>> -> memref<128xi32, #tpu.memory_space<hbm>>
        %dma_start3A_80 = tpu.memref_slice %arg4[%add3A_76] : memref<331776xi32, #tpu.memory_space<hbm>> -> memref<128xi32, #tpu.memory_space<hbm>>
        tpu.enqueue_dma source(%dma_start3A_80 : memref<128xi32, #tpu.memory_space<hbm>>) target(%arg11 : memref<128xi32, #tpu.memory_space<vmem>>) target_semaphore(%arg15 : memref<!tpu.dma_semaphore, #tpu.memory_space<semaphore_mem>>)
        %dma_wait3A_81 = tpu.memref_slice %arg3[%add3A_73] : memref<331776xi32, #tpu.memory_space<hbm>> -> memref<128xi32, #tpu.memory_space<hbm>>
        %dma_wait3A_82 = tpu.memref_slice %arg3[%add3A_73] : memref<331776xi32, #tpu.memory_space<hbm>> -> memref<128xi32, #tpu.memory_space<hbm>>
        tpu.wait_dma2 semaphore(%arg15 : memref<!tpu.dma_semaphore, #tpu.memory_space<semaphore_mem>>) src(%dma_wait3A_82 : memref<128xi32, #tpu.memory_space<hbm>>) dst(%arg9 : memref<128xi32, #tpu.memory_space<vmem>>)
        %dma_wait3A_83 = tpu.memref_slice %arg4[%add3A_76] : memref<331776xi32, #tpu.memory_space<hbm>> -> memref<128xi32, #tpu.memory_space<hbm>>
        %dma_wait3A_84 = tpu.memref_slice %arg4[%add3A_76] : memref<331776xi32, #tpu.memory_space<hbm>> -> memref<128xi32, #tpu.memory_space<hbm>>
        tpu.wait_dma2 semaphore(%arg15 : memref<!tpu.dma_semaphore, #tpu.memory_space<semaphore_mem>>) src(%dma_wait3A_84 : memref<128xi32, #tpu.memory_space<hbm>>) dst(%arg11 : memref<128xi32, #tpu.memory_space<vmem>>)
        %dma_start3A_85 = arith.constant 0 : i32
        %dma_start3A_86 = arith.constant 0 : i32
        %dma_start3A_87 = tpu.memref_slice %arg2[%dma_start3A_85, %dma_start3A_86] : memref<10000x128xf32, #tpu.memory_space<hbm>> -> memref<10000x128xf32, #tpu.memory_space<hbm>>
        tpu.enqueue_indirect_dma source(%dma_start3A_87 : memref<10000x128xf32, #tpu.memory_space<hbm>>) target(%arg13 : memref<128x128xf32, #tpu.memory_space<vmem>>) offsets(%arg9 : memref<128xi32, #tpu.memory_space<vmem>>) semaphore(%arg14 : memref<!tpu.dma_semaphore, #tpu.memory_space<semaphore_mem>>)
      } else {
      }
    }
    %scan3A_37 = arith.constant 81 : i32
    %barrier3A_38 = arith.constant 0 : index
    tpu.barrier barrier_id(%barrier3A_38)
    %mul3A_39 = arith.constant 632 : i32
    %mul3A_40 = arith.muli %arg1, %mul3A_39 : i32
    %mul3A_41 = arith.constant 632 : i32
    %mul3A_42 = arith.muli %arg1, %mul3A_41 : i32
    "tpu.region"() ({
      %run_scoped3A = tpu.sem_alloc : memref<!tpu.dma_semaphore, #tpu.memory_space<semaphore_mem>>
      %dma_start3A_43 = arith.constant 0 : i32
      %dma_start3A_44 = arith.constant 0 : i32
      %dma_start3A_45 = tpu.memref_slice %arg6[%arg0, %dma_start3A_43, %dma_start3A_44] : memref<1x10112x128xf32, #tpu.memory_space<hbm>> -> memref<1x10112x128xf32, #tpu.memory_space<hbm>>
      %dma_start3A_46 = tpu.memref_squeeze %dma_start3A_45 : memref<1x10112x128xf32, #tpu.memory_space<hbm>> -> memref<10112x128xf32, #tpu.memory_space<hbm>>
      %dma_start3A_47 = arith.constant 0 : i32
      %dma_start3A_48 = tpu.memref_slice %dma_start3A_46[%mul3A_42, %dma_start3A_47] : memref<10112x128xf32, #tpu.memory_space<hbm>> -> memref<632x128xf32, #tpu.memory_space<hbm>>
      %dma_start3A_49 = arith.constant 0 : i32
      %dma_start3A_50 = tpu.memref_slice %arg7[%mul3A_40, %dma_start3A_49] : memref<10112x128xf32, #tpu.memory_space<vmem_shared>> -> memref<632x128xf32, #tpu.memory_space<vmem_shared>>
      tpu.enqueue_dma source(%dma_start3A_50 : memref<632x128xf32, #tpu.memory_space<vmem_shared>>) target(%dma_start3A_48 : memref<632x128xf32, #tpu.memory_space<hbm>>) target_semaphore(%run_scoped3A : memref<!tpu.dma_semaphore, #tpu.memory_space<semaphore_mem>>)
      %dma_wait3A_51 = arith.constant 0 : i32
      %dma_wait3A_52 = arith.constant 0 : i32
      %dma_wait3A_53 = tpu.memref_slice %arg6[%arg0, %dma_wait3A_51, %dma_wait3A_52] : memref<1x10112x128xf32, #tpu.memory_space<hbm>> -> memref<1x10112x128xf32, #tpu.memory_space<hbm>>
      %dma_wait3A_54 = tpu.memref_squeeze %dma_wait3A_53 : memref<1x10112x128xf32, #tpu.memory_space<hbm>> -> memref<10112x128xf32, #tpu.memory_space<hbm>>
      %dma_wait3A_55 = arith.constant 0 : i32
      %dma_wait3A_56 = tpu.memref_slice %dma_wait3A_54[%mul3A_42, %dma_wait3A_55] : memref<10112x128xf32, #tpu.memory_space<hbm>> -> memref<632x128xf32, #tpu.memory_space<hbm>>
      %dma_wait3A_57 = arith.constant 0 : i32
      %dma_wait3A_58 = tpu.memref_slice %arg7[%mul3A_40, %dma_wait3A_57] : memref<10112x128xf32, #tpu.memory_space<vmem_shared>> -> memref<632x128xf32, #tpu.memory_space<vmem_shared>>
      tpu.wait_dma2 semaphore(%run_scoped3A : memref<!tpu.dma_semaphore, #tpu.memory_space<semaphore_mem>>) src(%dma_wait3A_58 : memref<632x128xf32, #tpu.memory_space<vmem_shared>>) dst(%dma_wait3A_56 : memref<632x128xf32, #tpu.memory_space<hbm>>)
      tpu.yield
    }) : () -> ()
    return
  }
}

#map = affine_map<(d0, d1) -> (0, 0)>
#map1 = affine_map<(d0, d1) -> (0)>
#map2 = affine_map<(d0, d1) -> (0, 0, 0)>
module attributes {stable_mosaic.version = 14 : i64} {
  func.func @seg_sum(%arg0: i32, %arg1: i32, %arg2: memref<10000x128xf32, #tpu.memory_space<hbm>>, %arg3: memref<331776xi32, #tpu.memory_space<hbm>>, %arg4: memref<331776xi32, #tpu.memory_space<hbm>>, %arg5: memref<632x128xf32, #tpu.memory_space<hbm>>, %arg6: memref<1x10112x128xf32, #tpu.memory_space<hbm>>, %arg7: memref<10112x128xf32, #tpu.memory_space<vmem_shared>>, %arg8: memref<128xi32, #tpu.memory_space<vmem>>, %arg9: memref<128xi32, #tpu.memory_space<vmem>>, %arg10: memref<128xi32, #tpu.memory_space<vmem>>, %arg11: memref<128xi32, #tpu.memory_space<vmem>>, %arg12: memref<128x128xf32, #tpu.memory_space<vmem>>, %arg13: memref<128x128xf32, #tpu.memory_space<vmem>>, %arg14: memref<!tpu.dma_semaphore, #tpu.memory_space<semaphore_mem>>, %arg15: memref<!tpu.dma_semaphore, #tpu.memory_space<semaphore_mem>>) attributes {dimension_semantics = [#tpu.dimension_semantics<core_parallel>, #tpu.dimension_semantics<subcore_parallel>], iteration_bounds = array<i64: 1, 16>, scalar_prefetch = 0 : i64, scratch_operands = 9 : i64, tpu.core_type = #tpu.core_type<sc_vector_subcore>, window_params = [{transform_indices = #map}, {transform_indices = #map1}, {transform_indices = #map1}, {transform_indices = #map}, {transform_indices = #map2}]} {
    %mul3A = arith.constant 16 : i32
    %mul3A_0 = arith.muli %arg0, %mul3A : i32
    %add3A = arith.addi %mul3A_0, %arg1 : i32
    %mul3A_1 = arith.constant 20736 : i32
    %mul3A_2 = arith.muli %add3A, %mul3A_1 : i32
    %mul3A_3 = arith.constant 632 : i32
    %mul3A_4 = arith.muli %arg1, %mul3A_3 : i32
    "tpu.region"() ({
      %run_scoped3A = tpu.sem_alloc : memref<!tpu.dma_semaphore, #tpu.memory_space<semaphore_mem>>
      %dma_start3A_43 = arith.constant 0 : i32
      %dma_start3A_44 = tpu.memref_slice %arg7[%mul3A_4, %dma_start3A_43] : memref<10112x128xf32, #tpu.memory_space<vmem_shared>> -> memref<632x128xf32, #tpu.memory_space<vmem_shared>>
      tpu.enqueue_dma source(%arg5 : memref<632x128xf32, #tpu.memory_space<hbm>>) target(%dma_start3A_44 : memref<632x128xf32, #tpu.memory_space<vmem_shared>>) target_semaphore(%run_scoped3A : memref<!tpu.dma_semaphore, #tpu.memory_space<semaphore_mem>>)
      %dma_wait3A_45 = arith.constant 0 : i32
      %dma_wait3A_46 = tpu.memref_slice %arg7[%mul3A_4, %dma_wait3A_45] : memref<10112x128xf32, #tpu.memory_space<vmem_shared>> -> memref<632x128xf32, #tpu.memory_space<vmem_shared>>
      tpu.wait_dma2 semaphore(%run_scoped3A : memref<!tpu.dma_semaphore, #tpu.memory_space<semaphore_mem>>) src(%arg5 : memref<632x128xf32, #tpu.memory_space<hbm>>) dst(%dma_wait3A_46 : memref<632x128xf32, #tpu.memory_space<vmem_shared>>)
      tpu.yield
    }) : () -> ()
    %barrier3A = arith.constant 0 : index
    tpu.barrier barrier_id(%barrier3A)
    %add3A_5 = arith.constant 0 : i32
    %add3A_6 = arith.addi %mul3A_2, %add3A_5 : i32
    %add3A_7 = arith.constant 0 : i32
    %add3A_8 = arith.addi %mul3A_2, %add3A_7 : i32
    %dma_start3A = tpu.memref_slice %arg3[%add3A_6] : memref<331776xi32, #tpu.memory_space<hbm>> -> memref<128xi32, #tpu.memory_space<hbm>>
    %dma_start3A_9 = tpu.memref_slice %arg3[%add3A_6] : memref<331776xi32, #tpu.memory_space<hbm>> -> memref<128xi32, #tpu.memory_space<hbm>>
    tpu.enqueue_dma source(%dma_start3A_9 : memref<128xi32, #tpu.memory_space<hbm>>) target(%arg8 : memref<128xi32, #tpu.memory_space<vmem>>) target_semaphore(%arg15 : memref<!tpu.dma_semaphore, #tpu.memory_space<semaphore_mem>>)
    %dma_start3A_10 = tpu.memref_slice %arg4[%add3A_8] : memref<331776xi32, #tpu.memory_space<hbm>> -> memref<128xi32, #tpu.memory_space<hbm>>
    %dma_start3A_11 = tpu.memref_slice %arg4[%add3A_8] : memref<331776xi32, #tpu.memory_space<hbm>> -> memref<128xi32, #tpu.memory_space<hbm>>
    tpu.enqueue_dma source(%dma_start3A_11 : memref<128xi32, #tpu.memory_space<hbm>>) target(%arg10 : memref<128xi32, #tpu.memory_space<vmem>>) target_semaphore(%arg15 : memref<!tpu.dma_semaphore, #tpu.memory_space<semaphore_mem>>)
    %dma_wait3A = tpu.memref_slice %arg3[%add3A_6] : memref<331776xi32, #tpu.memory_space<hbm>> -> memref<128xi32, #tpu.memory_space<hbm>>
    %dma_wait3A_12 = tpu.memref_slice %arg3[%add3A_6] : memref<331776xi32, #tpu.memory_space<hbm>> -> memref<128xi32, #tpu.memory_space<hbm>>
    tpu.wait_dma2 semaphore(%arg15 : memref<!tpu.dma_semaphore, #tpu.memory_space<semaphore_mem>>) src(%dma_wait3A_12 : memref<128xi32, #tpu.memory_space<hbm>>) dst(%arg8 : memref<128xi32, #tpu.memory_space<vmem>>)
    %dma_wait3A_13 = tpu.memref_slice %arg4[%add3A_8] : memref<331776xi32, #tpu.memory_space<hbm>> -> memref<128xi32, #tpu.memory_space<hbm>>
    %dma_wait3A_14 = tpu.memref_slice %arg4[%add3A_8] : memref<331776xi32, #tpu.memory_space<hbm>> -> memref<128xi32, #tpu.memory_space<hbm>>
    tpu.wait_dma2 semaphore(%arg15 : memref<!tpu.dma_semaphore, #tpu.memory_space<semaphore_mem>>) src(%dma_wait3A_14 : memref<128xi32, #tpu.memory_space<hbm>>) dst(%arg10 : memref<128xi32, #tpu.memory_space<vmem>>)
    %dma_start3A_15 = arith.constant 0 : i32
    %dma_start3A_16 = arith.constant 0 : i32
    %dma_start3A_17 = tpu.memref_slice %arg2[%dma_start3A_15, %dma_start3A_16] : memref<10000x128xf32, #tpu.memory_space<hbm>> -> memref<10000x128xf32, #tpu.memory_space<hbm>>
    tpu.enqueue_indirect_dma source(%dma_start3A_17 : memref<10000x128xf32, #tpu.memory_space<hbm>>) target(%arg12 : memref<128x128xf32, #tpu.memory_space<vmem>>) offsets(%arg8 : memref<128xi32, #tpu.memory_space<vmem>>) semaphore(%arg14 : memref<!tpu.dma_semaphore, #tpu.memory_space<semaphore_mem>>)
    %add3A_18 = arith.constant 128 : i32
    %add3A_19 = arith.addi %mul3A_2, %add3A_18 : i32
    %add3A_20 = arith.constant 128 : i32
    %add3A_21 = arith.addi %mul3A_2, %add3A_20 : i32
    %dma_start3A_22 = tpu.memref_slice %arg3[%add3A_19] : memref<331776xi32, #tpu.memory_space<hbm>> -> memref<128xi32, #tpu.memory_space<hbm>>
    %dma_start3A_23 = tpu.memref_slice %arg3[%add3A_19] : memref<331776xi32, #tpu.memory_space<hbm>> -> memref<128xi32, #tpu.memory_space<hbm>>
    tpu.enqueue_dma source(%dma_start3A_23 : memref<128xi32, #tpu.memory_space<hbm>>) target(%arg9 : memref<128xi32, #tpu.memory_space<vmem>>) target_semaphore(%arg15 : memref<!tpu.dma_semaphore, #tpu.memory_space<semaphore_mem>>)
    %dma_start3A_24 = tpu.memref_slice %arg4[%add3A_21] : memref<331776xi32, #tpu.memory_space<hbm>> -> memref<128xi32, #tpu.memory_space<hbm>>
    %dma_start3A_25 = tpu.memref_slice %arg4[%add3A_21] : memref<331776xi32, #tpu.memory_space<hbm>> -> memref<128xi32, #tpu.memory_space<hbm>>
    tpu.enqueue_dma source(%dma_start3A_25 : memref<128xi32, #tpu.memory_space<hbm>>) target(%arg11 : memref<128xi32, #tpu.memory_space<vmem>>) target_semaphore(%arg15 : memref<!tpu.dma_semaphore, #tpu.memory_space<semaphore_mem>>)
    %dma_wait3A_26 = tpu.memref_slice %arg3[%add3A_19] : memref<331776xi32, #tpu.memory_space<hbm>> -> memref<128xi32, #tpu.memory_space<hbm>>
    %dma_wait3A_27 = tpu.memref_slice %arg3[%add3A_19] : memref<331776xi32, #tpu.memory_space<hbm>> -> memref<128xi32, #tpu.memory_space<hbm>>
    tpu.wait_dma2 semaphore(%arg15 : memref<!tpu.dma_semaphore, #tpu.memory_space<semaphore_mem>>) src(%dma_wait3A_27 : memref<128xi32, #tpu.memory_space<hbm>>) dst(%arg9 : memref<128xi32, #tpu.memory_space<vmem>>)
    %dma_wait3A_28 = tpu.memref_slice %arg4[%add3A_21] : memref<331776xi32, #tpu.memory_space<hbm>> -> memref<128xi32, #tpu.memory_space<hbm>>
    %dma_wait3A_29 = tpu.memref_slice %arg4[%add3A_21] : memref<331776xi32, #tpu.memory_space<hbm>> -> memref<128xi32, #tpu.memory_space<hbm>>
    tpu.wait_dma2 semaphore(%arg15 : memref<!tpu.dma_semaphore, #tpu.memory_space<semaphore_mem>>) src(%dma_wait3A_29 : memref<128xi32, #tpu.memory_space<hbm>>) dst(%arg11 : memref<128xi32, #tpu.memory_space<vmem>>)
    %dma_start3A_30 = arith.constant 0 : i32
    %dma_start3A_31 = arith.constant 0 : i32
    %dma_start3A_32 = tpu.memref_slice %arg2[%dma_start3A_30, %dma_start3A_31] : memref<10000x128xf32, #tpu.memory_space<hbm>> -> memref<10000x128xf32, #tpu.memory_space<hbm>>
    tpu.enqueue_indirect_dma source(%dma_start3A_32 : memref<10000x128xf32, #tpu.memory_space<hbm>>) target(%arg13 : memref<128x128xf32, #tpu.memory_space<vmem>>) offsets(%arg9 : memref<128xi32, #tpu.memory_space<vmem>>) semaphore(%arg14 : memref<!tpu.dma_semaphore, #tpu.memory_space<semaphore_mem>>)
    %scan3A = arith.constant 0 : i32
    %scan3A_33 = arith.constant 0 : i32
    %scan3A_34 = arith.constant 81 : i32
    %scan3A_35 = arith.addi %scan3A_33, %scan3A_34 : i32
    %scan3A_36 = arith.constant 1 : i32
    scf.for %scan3A_43 = %scan3A_33 to %scan3A_35 step %scan3A_36  : i32 {
      %mul3A_44 = arith.constant 2 : i32
      %mul3A_45 = arith.muli %scan3A_43, %mul3A_44 : i32
      %add3A_46 = arith.constant 0 : i32
      %add3A_47 = arith.addi %mul3A_45, %add3A_46 : i32
      %dma_wait3A_48 = arith.constant 0 : i32
      %dma_wait3A_49 = arith.constant 0 : i32
      %dma_wait3A_50 = tpu.memref_slice %arg2[%dma_wait3A_48, %dma_wait3A_49] : memref<10000x128xf32, #tpu.memory_space<hbm>> -> memref<10000x128xf32, #tpu.memory_space<hbm>>
      tpu.wait_indirect_dma semaphore(%arg14 : memref<!tpu.dma_semaphore, #tpu.memory_space<semaphore_mem>>) src(%dma_wait3A_50 : memref<10000x128xf32, #tpu.memory_space<hbm>>) dst(%arg12 : memref<128x128xf32, #tpu.memory_space<vmem>>)
      "tpu.region"() ({
        %run_scoped3A = tpu.sem_alloc : memref<!tpu.dma_semaphore, #tpu.memory_space<semaphore_mem>>
        %dma_start3A_69 = arith.constant 0 : i32
        %dma_start3A_70 = arith.constant 0 : i32
        %dma_start3A_71 = tpu.memref_slice %arg7[%dma_start3A_69, %dma_start3A_70] : memref<10112x128xf32, #tpu.memory_space<vmem_shared>> -> memref<10112x128xf32, #tpu.memory_space<vmem_shared>>
        tpu.enqueue_indirect_dma source(%arg12 : memref<128x128xf32, #tpu.memory_space<vmem>>) target(%dma_start3A_71 : memref<10112x128xf32, #tpu.memory_space<vmem_shared>>) offsets(%arg10 : memref<128xi32, #tpu.memory_space<vmem>>) semaphore(%run_scoped3A : memref<!tpu.dma_semaphore, #tpu.memory_space<semaphore_mem>>) {add = true}
        %dma_wait3A_72 = arith.constant 0 : i32
        %dma_wait3A_73 = arith.constant 0 : i32
        %dma_wait3A_74 = tpu.memref_slice %arg7[%dma_wait3A_72, %dma_wait3A_73] : memref<10112x128xf32, #tpu.memory_space<vmem_shared>> -> memref<10112x128xf32, #tpu.memory_space<vmem_shared>>
        tpu.wait_indirect_dma semaphore(%run_scoped3A : memref<!tpu.dma_semaphore, #tpu.memory_space<semaphore_mem>>) src(%arg12 : memref<128x128xf32, #tpu.memory_space<vmem>>) dst(%dma_wait3A_74 : memref<10112x128xf32, #tpu.memory_space<vmem_shared>>)
        tpu.yield
      }) : () -> ()
      %add3A_51 = arith.constant 2 : i32
      %add3A_52 = arith.addi %add3A_47, %add3A_51 : i32
      %lt3A = arith.constant 162 : i32
      %lt3A_53 = arith.cmpi slt, %add3A_52, %lt3A : i32
      %convert_element_type3A = arith.extui %lt3A_53 : i1 to i32
      %cond3A = arith.constant 0 : i32
      %cond3A_54 = arith.cmpi ne, %convert_element_type3A, %cond3A : i32
      scf.if %cond3A_54 {
        %add3A_69 = arith.constant 2 : i32
        %add3A_70 = arith.addi %add3A_47, %add3A_69 : i32
        %mul3A_71 = arith.constant 128 : i32
        %mul3A_72 = arith.muli %add3A_70, %mul3A_71 : i32
        %add3A_73 = arith.addi %mul3A_2, %mul3A_72 : i32
        %mul3A_74 = arith.constant 128 : i32
        %mul3A_75 = arith.muli %add3A_70, %mul3A_74 : i32
        %add3A_76 = arith.addi %mul3A_2, %mul3A_75 : i32
        %dma_start3A_77 = tpu.memref_slice %arg3[%add3A_73] : memref<331776xi32, #tpu.memory_space<hbm>> -> memref<128xi32, #tpu.memory_space<hbm>>
        %dma_start3A_78 = tpu.memref_slice %arg3[%add3A_73] : memref<331776xi32, #tpu.memory_space<hbm>> -> memref<128xi32, #tpu.memory_space<hbm>>
        tpu.enqueue_dma source(%dma_start3A_78 : memref<128xi32, #tpu.memory_space<hbm>>) target(%arg8 : memref<128xi32, #tpu.memory_space<vmem>>) target_semaphore(%arg15 : memref<!tpu.dma_semaphore, #tpu.memory_space<semaphore_mem>>)
        %dma_start3A_79 = tpu.memref_slice %arg4[%add3A_76] : memref<331776xi32, #tpu.memory_space<hbm>> -> memref<128xi32, #tpu.memory_space<hbm>>
        %dma_start3A_80 = tpu.memref_slice %arg4[%add3A_76] : memref<331776xi32, #tpu.memory_space<hbm>> -> memref<128xi32, #tpu.memory_space<hbm>>
        tpu.enqueue_dma source(%dma_start3A_80 : memref<128xi32, #tpu.memory_space<hbm>>) target(%arg10 : memref<128xi32, #tpu.memory_space<vmem>>) target_semaphore(%arg15 : memref<!tpu.dma_semaphore, #tpu.memory_space<semaphore_mem>>)
        %dma_wait3A_81 = tpu.memref_slice %arg3[%add3A_73] : memref<331776xi32, #tpu.memory_space<hbm>> -> memref<128xi32, #tpu.memory_space<hbm>>
        %dma_wait3A_82 = tpu.memref_slice %arg3[%add3A_73] : memref<331776xi32, #tpu.memory_space<hbm>> -> memref<128xi32, #tpu.memory_space<hbm>>
        tpu.wait_dma2 semaphore(%arg15 : memref<!tpu.dma_semaphore, #tpu.memory_space<semaphore_mem>>) src(%dma_wait3A_82 : memref<128xi32, #tpu.memory_space<hbm>>) dst(%arg8 : memref<128xi32, #tpu.memory_space<vmem>>)
        %dma_wait3A_83 = tpu.memref_slice %arg4[%add3A_76] : memref<331776xi32, #tpu.memory_space<hbm>> -> memref<128xi32, #tpu.memory_space<hbm>>
        %dma_wait3A_84 = tpu.memref_slice %arg4[%add3A_76] : memref<331776xi32, #tpu.memory_space<hbm>> -> memref<128xi32, #tpu.memory_space<hbm>>
        tpu.wait_dma2 semaphore(%arg15 : memref<!tpu.dma_semaphore, #tpu.memory_space<semaphore_mem>>) src(%dma_wait3A_84 : memref<128xi32, #tpu.memory_space<hbm>>) dst(%arg10 : memref<128xi32, #tpu.memory_space<vmem>>)
        %dma_start3A_85 = arith.constant 0 : i32
        %dma_start3A_86 = arith.constant 0 : i32
        %dma_start3A_87 = tpu.memref_slice %arg2[%dma_start3A_85, %dma_start3A_86] : memref<10000x128xf32, #tpu.memory_space<hbm>> -> memref<10000x128xf32, #tpu.memory_space<hbm>>
        tpu.enqueue_indirect_dma source(%dma_start3A_87 : memref<10000x128xf32, #tpu.memory_space<hbm>>) target(%arg12 : memref<128x128xf32, #tpu.memory_space<vmem>>) offsets(%arg8 : memref<128xi32, #tpu.memory_space<vmem>>) semaphore(%arg14 : memref<!tpu.dma_semaphore, #tpu.memory_space<semaphore_mem>>)
      } else {
      }
      %mul3A_55 = arith.constant 2 : i32
      %mul3A_56 = arith.muli %scan3A_43, %mul3A_55 : i32
      %add3A_57 = arith.constant 1 : i32
      %add3A_58 = arith.addi %mul3A_56, %add3A_57 : i32
      %dma_wait3A_59 = arith.constant 0 : i32
      %dma_wait3A_60 = arith.constant 0 : i32
      %dma_wait3A_61 = tpu.memref_slice %arg2[%dma_wait3A_59, %dma_wait3A_60] : memref<10000x128xf32, #tpu.memory_space<hbm>> -> memref<10000x128xf32, #tpu.memory_space<hbm>>
      tpu.wait_indirect_dma semaphore(%arg14 : memref<!tpu.dma_semaphore, #tpu.memory_space<semaphore_mem>>) src(%dma_wait3A_61 : memref<10000x128xf32, #tpu.memory_space<hbm>>) dst(%arg13 : memref<128x128xf32, #tpu.memory_space<vmem>>)
      "tpu.region"() ({
        %run_scoped3A = tpu.sem_alloc : memref<!tpu.dma_semaphore, #tpu.memory_space<semaphore_mem>>
        %dma_start3A_69 = arith.constant 0 : i32
        %dma_start3A_70 = arith.constant 0 : i32
        %dma_start3A_71 = tpu.memref_slice %arg7[%dma_start3A_69, %dma_start3A_70] : memref<10112x128xf32, #tpu.memory_space<vmem_shared>> -> memref<10112x128xf32, #tpu.memory_space<vmem_shared>>
        tpu.enqueue_indirect_dma source(%arg13 : memref<128x128xf32, #tpu.memory_space<vmem>>) target(%dma_start3A_71 : memref<10112x128xf32, #tpu.memory_space<vmem_shared>>) offsets(%arg11 : memref<128xi32, #tpu.memory_space<vmem>>) semaphore(%run_scoped3A : memref<!tpu.dma_semaphore, #tpu.memory_space<semaphore_mem>>) {add = true}
        %dma_wait3A_72 = arith.constant 0 : i32
        %dma_wait3A_73 = arith.constant 0 : i32
        %dma_wait3A_74 = tpu.memref_slice %arg7[%dma_wait3A_72, %dma_wait3A_73] : memref<10112x128xf32, #tpu.memory_space<vmem_shared>> -> memref<10112x128xf32, #tpu.memory_space<vmem_shared>>
        tpu.wait_indirect_dma semaphore(%run_scoped3A : memref<!tpu.dma_semaphore, #tpu.memory_space<semaphore_mem>>) src(%arg13 : memref<128x128xf32, #tpu.memory_space<vmem>>) dst(%dma_wait3A_74 : memref<10112x128xf32, #tpu.memory_space<vmem_shared>>)
        tpu.yield
      }) : () -> ()
      %add3A_62 = arith.constant 2 : i32
      %add3A_63 = arith.addi %add3A_58, %add3A_62 : i32
      %lt3A_64 = arith.constant 162 : i32
      %lt3A_65 = arith.cmpi slt, %add3A_63, %lt3A_64 : i32
      %convert_element_type3A_66 = arith.extui %lt3A_65 : i1 to i32
      %cond3A_67 = arith.constant 0 : i32
      %cond3A_68 = arith.cmpi ne, %convert_element_type3A_66, %cond3A_67 : i32
      scf.if %cond3A_68 {
        %add3A_69 = arith.constant 2 : i32
        %add3A_70 = arith.addi %add3A_58, %add3A_69 : i32
        %mul3A_71 = arith.constant 128 : i32
        %mul3A_72 = arith.muli %add3A_70, %mul3A_71 : i32
        %add3A_73 = arith.addi %mul3A_2, %mul3A_72 : i32
        %mul3A_74 = arith.constant 128 : i32
        %mul3A_75 = arith.muli %add3A_70, %mul3A_74 : i32
        %add3A_76 = arith.addi %mul3A_2, %mul3A_75 : i32
        %dma_start3A_77 = tpu.memref_slice %arg3[%add3A_73] : memref<331776xi32, #tpu.memory_space<hbm>> -> memref<128xi32, #tpu.memory_space<hbm>>
        %dma_start3A_78 = tpu.memref_slice %arg3[%add3A_73] : memref<331776xi32, #tpu.memory_space<hbm>> -> memref<128xi32, #tpu.memory_space<hbm>>
        tpu.enqueue_dma source(%dma_start3A_78 : memref<128xi32, #tpu.memory_space<hbm>>) target(%arg9 : memref<128xi32, #tpu.memory_space<vmem>>) target_semaphore(%arg15 : memref<!tpu.dma_semaphore, #tpu.memory_space<semaphore_mem>>)
        %dma_start3A_79 = tpu.memref_slice %arg4[%add3A_76] : memref<331776xi32, #tpu.memory_space<hbm>> -> memref<128xi32, #tpu.memory_space<hbm>>
        %dma_start3A_80 = tpu.memref_slice %arg4[%add3A_76] : memref<331776xi32, #tpu.memory_space<hbm>> -> memref<128xi32, #tpu.memory_space<hbm>>
        tpu.enqueue_dma source(%dma_start3A_80 : memref<128xi32, #tpu.memory_space<hbm>>) target(%arg11 : memref<128xi32, #tpu.memory_space<vmem>>) target_semaphore(%arg15 : memref<!tpu.dma_semaphore, #tpu.memory_space<semaphore_mem>>)
        %dma_wait3A_81 = tpu.memref_slice %arg3[%add3A_73] : memref<331776xi32, #tpu.memory_space<hbm>> -> memref<128xi32, #tpu.memory_space<hbm>>
        %dma_wait3A_82 = tpu.memref_slice %arg3[%add3A_73] : memref<331776xi32, #tpu.memory_space<hbm>> -> memref<128xi32, #tpu.memory_space<hbm>>
        tpu.wait_dma2 semaphore(%arg15 : memref<!tpu.dma_semaphore, #tpu.memory_space<semaphore_mem>>) src(%dma_wait3A_82 : memref<128xi32, #tpu.memory_space<hbm>>) dst(%arg9 : memref<128xi32, #tpu.memory_space<vmem>>)
        %dma_wait3A_83 = tpu.memref_slice %arg4[%add3A_76] : memref<331776xi32, #tpu.memory_space<hbm>> -> memref<128xi32, #tpu.memory_space<hbm>>
        %dma_wait3A_84 = tpu.memref_slice %arg4[%add3A_76] : memref<331776xi32, #tpu.memory_space<hbm>> -> memref<128xi32, #tpu.memory_space<hbm>>
        tpu.wait_dma2 semaphore(%arg15 : memref<!tpu.dma_semaphore, #tpu.memory_space<semaphore_mem>>) src(%dma_wait3A_84 : memref<128xi32, #tpu.memory_space<hbm>>) dst(%arg11 : memref<128xi32, #tpu.memory_space<vmem>>)
        %dma_start3A_85 = arith.constant 0 : i32
        %dma_start3A_86 = arith.constant 0 : i32
        %dma_start3A_87 = tpu.memref_slice %arg2[%dma_start3A_85, %dma_start3A_86] : memref<10000x128xf32, #tpu.memory_space<hbm>> -> memref<10000x128xf32, #tpu.memory_space<hbm>>
        tpu.enqueue_indirect_dma source(%dma_start3A_87 : memref<10000x128xf32, #tpu.memory_space<hbm>>) target(%arg13 : memref<128x128xf32, #tpu.memory_space<vmem>>) offsets(%arg9 : memref<128xi32, #tpu.memory_space<vmem>>) semaphore(%arg14 : memref<!tpu.dma_semaphore, #tpu.memory_space<semaphore_mem>>)
      } else {
      }
    }
    %scan3A_37 = arith.constant 81 : i32
    %barrier3A_38 = arith.constant 0 : index
    tpu.barrier barrier_id(%barrier3A_38)
    %mul3A_39 = arith.constant 632 : i32
    %mul3A_40 = arith.muli %arg1, %mul3A_39 : i32
    %mul3A_41 = arith.constant 632 : i32
    %mul3A_42 = arith.muli %arg1, %mul3A_41 : i32
    "tpu.region"() ({
      %run_scoped3A = tpu.sem_alloc : memref<!tpu.dma_semaphore, #tpu.memory_space<semaphore_mem>>
      %dma_start3A_43 = arith.constant 0 : i32
      %dma_start3A_44 = arith.constant 0 : i32
      %dma_start3A_45 = tpu.memref_slice %arg6[%arg0, %dma_start3A_43, %dma_start3A_44] : memref<1x10112x128xf32, #tpu.memory_space<hbm>> -> memref<1x10112x128xf32, #tpu.memory_space<hbm>>
      %dma_start3A_46 = tpu.memref_squeeze %dma_start3A_45 : memref<1x10112x128xf32, #tpu.memory_space<hbm>> -> memref<10112x128xf32, #tpu.memory_space<hbm>>
      %dma_start3A_47 = arith.constant 0 : i32
      %dma_start3A_48 = tpu.memref_slice %dma_start3A_46[%mul3A_42, %dma_start3A_47] : memref<10112x128xf32, #tpu.memory_space<hbm>> -> memref<632x128xf32, #tpu.memory_space<hbm>>
      %dma_start3A_49 = arith.constant 0 : i32
      %dma_start3A_50 = tpu.memref_slice %arg7[%mul3A_40, %dma_start3A_49] : memref<10112x128xf32, #tpu.memory_space<vmem_shared>> -> memref<632x128xf32, #tpu.memory_space<vmem_shared>>
      tpu.enqueue_dma source(%dma_start3A_50 : memref<632x128xf32, #tpu.memory_space<vmem_shared>>) target(%dma_start3A_48 : memref<632x128xf32, #tpu.memory_space<hbm>>) target_semaphore(%run_scoped3A : memref<!tpu.dma_semaphore, #tpu.memory_space<semaphore_mem>>)
      %dma_wait3A_51 = arith.constant 0 : i32
      %dma_wait3A_52 = arith.constant 0 : i32
      %dma_wait3A_53 = tpu.memref_slice %arg6[%arg0, %dma_wait3A_51, %dma_wait3A_52] : memref<1x10112x128xf32, #tpu.memory_space<hbm>> -> memref<1x10112x128xf32, #tpu.memory_space<hbm>>
      %dma_wait3A_54 = tpu.memref_squeeze %dma_wait3A_53 : memref<1x10112x128xf32, #tpu.memory_space<hbm>> -> memref<10112x128xf32, #tpu.memory_space<hbm>>
      %dma_wait3A_55 = arith.constant 0 : i32
      %dma_wait3A_56 = tpu.memref_slice %dma_wait3A_54[%mul3A_42, %dma_wait3A_55] : memref<10112x128xf32, #tpu.memory_space<hbm>> -> memref<632x128xf32, #tpu.memory_space<hbm>>
      %dma_wait3A_57 = arith.constant 0 : i32
      %dma_wait3A_58 = tpu.memref_slice %arg7[%mul3A_40, %dma_wait3A_57] : memref<10112x128xf32, #tpu.memory_space<vmem_shared>> -> memref<632x128xf32, #tpu.memory_space<vmem_shared>>
      tpu.wait_dma2 semaphore(%run_scoped3A : memref<!tpu.dma_semaphore, #tpu.memory_space<semaphore_mem>>) src(%dma_wait3A_58 : memref<632x128xf32, #tpu.memory_space<vmem_shared>>) dst(%dma_wait3A_56 : memref<632x128xf32, #tpu.memory_space<hbm>>)
      tpu.yield
    }) : () -> ()
    return
  }
}

module attributes {stable_mosaic.version = 14 : i64} {
  func.func @body(%arg0: i32, %arg1: memref<1x1000x128xf32, #tpu.memory_space<vmem>>, %arg2: memref<128x128xf32, #tpu.memory_space<vmem>>, %arg3: memref<1x128xf32, #tpu.memory_space<vmem>>, %arg4: memref<1000x128xf32, #tpu.memory_space<vmem>>) attributes {dimension_semantics = [#tpu.dimension_semantics<arbitrary>], iteration_bounds = array<i64: 10>, scalar_prefetch = 0 : i64, scratch_operands = 0 : i64, tpu.core_type = #tpu.core_type<tc>, window_params = [{transform_indices = @transform_0, window_bounds = array<i64: 1, 1000, 128>}, {pipeline_mode = #tpu.pipeline_mode<synchronous>, transform_indices = @transform_1, window_bounds = array<i64: 128, 128>}, {pipeline_mode = #tpu.pipeline_mode<synchronous>, transform_indices = @transform_2, window_bounds = array<i64: 1, 128>}, {transform_indices = @transform_3, window_bounds = array<i64: 1000, 128>}]} {
    %get3A = arith.constant 0 : index
    %get3A_0 = arith.constant 0 : index
    %get3A_1 = arith.constant 0 : index
    %get3A_2 = vector.load %arg1[%get3A, %get3A_0, %get3A_1] : memref<1x1000x128xf32, #tpu.memory_space<vmem>>, vector<1x1000x128xf32>
    %get3A_3 = vector.shape_cast %get3A_2 : vector<1x1000x128xf32> to vector<1000x128xf32>
    %get3A_4 = arith.constant 0 : index
    %get3A_5 = arith.constant 0 : index
    %get3A_6 = vector.load %arg2[%get3A_4, %get3A_5] : memref<128x128xf32, #tpu.memory_space<vmem>>, vector<128x128xf32>
    %dot_general3A = arith.constant dense<0.000000e+00> : vector<1000x128xf32>
    %dot_general3A_7 = tpu.matmul %get3A_3, %get3A_6, %dot_general3A {dimension_numbers = #tpu.dot_dimension_numbers<[1], [0], [0], [1], [0, 0, 1, 1], [], []>, transpose_lhs_hint = false} : vector<1000x128xf32>, vector<128x128xf32>, vector<1000x128xf32> -> vector<1000x128xf32>
    %get3A_8 = arith.constant 0 : index
    %get3A_9 = arith.constant 0 : index
    %get3A_10 = vector.load %arg3[%get3A_8, %get3A_9] : memref<1x128xf32, #tpu.memory_space<vmem>>, vector<1x128xf32>
    %add3A = vector.broadcast %get3A_10 : vector<1x128xf32> to vector<1000x128xf32>
    %add3A_11 = arith.addf %dot_general3A_7, %add3A : vector<1000x128xf32>
    %max3A = arith.constant 0.000000e+00 : f32
    %max3A_12 = vector.broadcast %max3A : f32 to vector<1000x128xf32>
    %max3A_13 = arith.maximumf %add3A_11, %max3A_12 : vector<1000x128xf32>
    %swap3A = arith.constant 0 : index
    %swap3A_14 = arith.constant 0 : index
    %swap3A_15 = vector.load %arg4[%swap3A, %swap3A_14] : memref<1000x128xf32, #tpu.memory_space<vmem>>, vector<1000x128xf32>
    tpu.vector_store %arg4[%swap3A, %swap3A_14], %max3A_13 {strides = array<i32>} : memref<1000x128xf32, #tpu.memory_space<vmem>>, vector<1000x128xf32>,
    return
  }
  func.func @transform_0(%arg0: i32) -> (i32, i32, i32) {
    %c0_i32 = arith.constant 0 : i32
    %c0_i32_0 = arith.constant 0 : i32
    %c0_i32_1 = arith.constant 0 : i32
    return %c0_i32, %arg0, %c0_i32_0 : i32, i32, i32
  }
  func.func @transform_1(%arg0: i32) -> (i32, i32) {
    %c0_i32 = arith.constant 0 : i32
    %c0_i32_0 = arith.constant 0 : i32
    %c0_i32_1 = arith.constant 0 : i32
    return %c0_i32, %c0_i32_0 : i32, i32
  }
  func.func @transform_2(%arg0: i32) -> (i32, i32) {
    %c0_i32 = arith.constant 0 : i32
    %c0_i32_0 = arith.constant 0 : i32
    %c0_i32_1 = arith.constant 0 : i32
    return %c0_i32, %c0_i32_0 : i32, i32
  }
  func.func @transform_3(%arg0: i32) -> (i32, i32) {
    %c0_i32 = arith.constant 0 : i32
    %c0_i32_0 = arith.constant 0 : i32
    return %arg0, %c0_i32 : i32, i32
  }
}

module attributes {stable_mosaic.version = 14 : i64} {
  func.func @body(%arg0: i32, %arg1: memref<1x1000x128xf32, #tpu.memory_space<vmem>>, %arg2: memref<128x128xf32, #tpu.memory_space<vmem>>, %arg3: memref<1x128xf32, #tpu.memory_space<vmem>>, %arg4: memref<1000x128xf32, #tpu.memory_space<vmem>>) attributes {dimension_semantics = [#tpu.dimension_semantics<arbitrary>], iteration_bounds = array<i64: 10>, scalar_prefetch = 0 : i64, scratch_operands = 0 : i64, tpu.core_type = #tpu.core_type<tc>, window_params = [{transform_indices = @transform_0, window_bounds = array<i64: 1, 1000, 128>}, {pipeline_mode = #tpu.pipeline_mode<synchronous>, transform_indices = @transform_1, window_bounds = array<i64: 128, 128>}, {pipeline_mode = #tpu.pipeline_mode<synchronous>, transform_indices = @transform_2, window_bounds = array<i64: 1, 128>}, {transform_indices = @transform_3, window_bounds = array<i64: 1000, 128>}]} {
    %get3A = arith.constant 0 : index
    %get3A_0 = arith.constant 0 : index
    %get3A_1 = arith.constant 0 : index
    %get3A_2 = vector.load %arg1[%get3A, %get3A_0, %get3A_1] : memref<1x1000x128xf32, #tpu.memory_space<vmem>>, vector<1x1000x128xf32>
    %get3A_3 = vector.shape_cast %get3A_2 : vector<1x1000x128xf32> to vector<1000x128xf32>
    %get3A_4 = arith.constant 0 : index
    %get3A_5 = arith.constant 0 : index
    %get3A_6 = vector.load %arg2[%get3A_4, %get3A_5] : memref<128x128xf32, #tpu.memory_space<vmem>>, vector<128x128xf32>
    %dot_general3A = arith.constant dense<0.000000e+00> : vector<1000x128xf32>
    %dot_general3A_7 = tpu.matmul %get3A_3, %get3A_6, %dot_general3A {dimension_numbers = #tpu.dot_dimension_numbers<[1], [0], [0], [1], [0, 0, 1, 1], [], []>, transpose_lhs_hint = false} : vector<1000x128xf32>, vector<128x128xf32>, vector<1000x128xf32> -> vector<1000x128xf32>
    %get3A_8 = arith.constant 0 : index
    %get3A_9 = arith.constant 0 : index
    %get3A_10 = vector.load %arg3[%get3A_8, %get3A_9] : memref<1x128xf32, #tpu.memory_space<vmem>>, vector<1x128xf32>
    %add3A = vector.broadcast %get3A_10 : vector<1x128xf32> to vector<1000x128xf32>
    %add3A_11 = arith.addf %dot_general3A_7, %add3A : vector<1000x128xf32>
    %max3A = arith.constant 0.000000e+00 : f32
    %max3A_12 = vector.broadcast %max3A : f32 to vector<1000x128xf32>
    %max3A_13 = arith.maximumf %add3A_11, %max3A_12 : vector<1000x128xf32>
    %swap3A = arith.constant 0 : index
    %swap3A_14 = arith.constant 0 : index
    %swap3A_15 = vector.load %arg4[%swap3A, %swap3A_14] : memref<1000x128xf32, #tpu.memory_space<vmem>>, vector<1000x128xf32>
    tpu.vector_store %arg4[%swap3A, %swap3A_14], %max3A_13 {strides = array<i32>} : memref<1000x128xf32, #tpu.memory_space<vmem>>, vector<1000x128xf32>,
    return
  }
  func.func @transform_0(%arg0: i32) -> (i32, i32, i32) {
    %c0_i32 = arith.constant 0 : i32
    %c0_i32_0 = arith.constant 0 : i32
    %c0_i32_1 = arith.constant 0 : i32
    return %c0_i32, %arg0, %c0_i32_0 : i32, i32, i32
  }
  func.func @transform_1(%arg0: i32) -> (i32, i32) {
    %c0_i32 = arith.constant 0 : i32
    %c0_i32_0 = arith.constant 0 : i32
    %c0_i32_1 = arith.constant 0 : i32
    return %c0_i32, %c0_i32_0 : i32, i32
  }
  func.func @transform_2(%arg0: i32) -> (i32, i32) {
    %c0_i32 = arith.constant 0 : i32
    %c0_i32_0 = arith.constant 0 : i32
    %c0_i32_1 = arith.constant 0 : i32
    return %c0_i32, %c0_i32_0 : i32, i32
  }
  func.func @transform_3(%arg0: i32) -> (i32, i32) {
    %c0_i32 = arith.constant 0 : i32
    %c0_i32_0 = arith.constant 0 : i32
    return %arg0, %c0_i32 : i32, i32
  }
}

</mosaic_0001>

<sc_bundles>
// kernel: kernel.6.cloned.1.call-start
scs
__scs_entry_jumppad:
0x0: {  	(pc) =	sbr.rel $0x88, $3  }
0x1: {  	(tag) =	ssettag $0x0;
	lr =	simm.s32 $0x1  }
0x2: {  	[smem:$0x3F9B] =	sst lr;
	_ =	strace $0xD0000000  }
0x3: {  	_ = 	snop  }
0x4: {  	_ = 	snop  }
0x5: {  	_ = 	snop  }
0x6: {  	_ = 	snop  }
0x7: {  	_ = 	snop  }
__scs_overlays_trampoline_lowered:
0x8: {  	[smem:$0x3FAA] =	sst s0  }
0x9: {  	[smem:$0x3FAB] =	sst s1  }
0xa: {  	[smem:$0x3FAC] =	sst s2  }
0xb: {  	[smem:$0x3FAD] =	sst s3  }
0xc: {  	[smem:$0x3FAE] =	sst s4  }
0xd: {  	[smem:$0x3FAF] =	sst s5  }
0xe: {  	[smem:$0x3FB0] =	sst s6  }
0xf: {  	[smem:$0x3FB1] =	sst s7  }
0x10: {  	[smem:$0x3FB2] =	sst s8  }
0x11: {  	[smem:$0x3FB3] =	sst s9;
	s0 =	simm.s32 @!p0 $0x0  }
0x12: {  	s1 =	sld [smem:$0x3F99];
	s0 =	simm.s32 @p0 $0x1  }
0x13: {  	[smem:$0x3FB4] =	sst s0;
	s0 =	simm.s32 @!p1 $0x0  }
0x14: {  	s2 =	sld [smem:$0x3F98];
	s0 =	simm.s32 @p1 $0x1  }
0x15: {  	[smem:$0x3FB5] =	sst s0;
	s0 =	simm.s32 @!p2 $0x0  }
0x16: {  	s3 =	sld [smem:$0x3FDB];
	s0 =	simm.s32 @p2 $0x1  }
0x17: {  	s4 =	simm.s32 $0x1BF5;
	[smem:$0x3FB7] =	sst s0  }
0x18: {  	s0 =	sld [smem:$0x3F9A];
	_ =	swait.ge [sflag:s4], $0x0  }
0x19: {  	s7 =	sld [smem:$0x3F9B]  }
0x1a: {  	s8 =	sadd.s32 $0xFFFFE003, lr  }
0x1b: {  	s9 =	sadd.s32 $0xFFFFFEF7, lr;
	s5 =	simm.s32 $0xFFFFFFFF;
	p2 =	slt.u32 s8, $0xFFFFF086  }
0x1c: {  	p1 =	slt.u32 s9, $0xF7A;
	s5 =	simm.s32 @!p2 $0x0  }
0x1d: {  	s5 =	simm.s32 @p1 $0x1;
	p0 =	seq.s32 s7, s2  }
0x1e: {  	s7 =	smul.u32 @!p0 $0xF7A, s2;
	p2 =	seq.s32 @!p0 s5, $0x0  }
0x1f: {  	s9 =	smul.u32 $0xF7A, s1;
	s8 =	simm.s32 @!p0 $0x1BF5;
	p2 =	por !p2, p0  }
0x20: {  	[sflag:s8] =	ssyncset.s32 @!p0 $0xFFFFF086;
	s6 =	sadd.s32 @!p0 s3, s7;
	s7 =	simm.s32 @!p0 $0x108  }
0x21: {  	s3 =	sadd.s32 s3, s9;
	s6 =	sadd.s32 @!p0 $0x88, s6;
	s7 =	simm.s32 @p2 $0x1082  }
0x22: {  	[simem:s7], [sflag:s8] =	dma.local @!p0 [hbm:s6], $0xF7A  }
0x23: {  	s9 =	sor.u32 $0xD0000000, s2;
	s6 =	simm.s32 $0x108;
	_ =	swait.ge @!p0 [sflag:s8], $0x0  }
0x24: {  	s3 =	sadd.s32 $0x88, s3;
	s6 =	simm.s32 @!p1 $0x1082;
	[sflag:s4] =	ssyncset.s32 $0xFFFFF086  }
0x25: {  	[simem:s6], [sflag:s4] =	dma.local [hbm:s3], $0xF7A  }
0x26: {  	[smem:$0x3F9B] =	sst s1;
	(tag) =	ssettag s2;
	_ =	strace s9  }
0x27: {  	s1 =	sld [smem:$0x3FAB]  }
0x28: {  	s2 =	sld [smem:$0x3FAC]  }
0x29: {  	s4 =	sld [smem:$0x3FAE]  }
0x2a: {  	p0 =	seq.s32 s5, $0x0;
	s5 =	sld [smem:$0x3FAF]  }
0x2b: {  	s6 =	sld [smem:$0x3FB0]  }
0x2c: {  	s7 =	sld [smem:$0x3FB1]  }
0x2d: {  	s3 =	simm.s32 $0x108;
	s8 =	sld [smem:$0x3FB2]  }
0x2e: {  	s3 =	simm.s32 @!p0 $0x1082;
	s9 =	sld [smem:$0x3FB3]  }
0x2f: {  	lr =	sadd.s32 s0, s3;
	s0 =	sld [smem:$0x3FAA]  }
0x30: {  	s3 =	sld [smem:$0x3FAD]  }
0x31: {  	[smem:$0x3FB6] =	sst s10  }
0x32: {  	s10 =	sld [smem:$0x3FB4];
	_ =	sdelay $0x3  }
0x33: {  	p0 =	seq.s32 s10, $0x1;
	s10 =	sld [smem:$0x3FB6];
	_ =	sdelay $0x3  }
0x34: {  	[smem:$0x3FB6] =	sst s10  }
0x35: {  	s10 =	sld [smem:$0x3FB5];
	_ =	sdelay $0x3  }
0x36: {  	p1 =	seq.s32 s10, $0x1;
	s10 =	sld [smem:$0x3FB6];
	_ =	sdelay $0x3  }
0x37: {  	[smem:$0x3FB6] =	sst s10  }
0x38: {  	s10 =	sld [smem:$0x3FB7]  }
0x39: {  	_ = 	snop;
	(pc) =	sbr.ind lr, $3  }
0x3a: {  	_ = 	snop  }
0x3b: {  	_ = 	snop  }
0x3c: {  	p2 =	seq.s32 s10, $0x1;
	s10 =	sld [smem:$0x3FB6]  }
0x3d: {  	_ =	shalt  }
0x3e: {  	_ =	shalt  }
0x3f: {  	_ =	shalt  }
0x40: {  	_ =	shalt  }
0x41: {  	_ =	shalt  }
0x42: {  	_ =	shalt  }
0x43: {  	_ =	shalt  }
0x44: {  	_ =	shalt  }
0x45: {  	_ =	shalt  }
0x46: {  	_ =	shalt  }
0x47: {  	_ =	shalt  }
0x48: {  	_ =	shalt  }
0x49: {  	_ =	shalt  }
0x4a: {  	_ =	shalt  }
0x4b: {  	_ =	shalt  }
0x4c: {  	_ =	shalt  }
0x4d: {  	_ =	shalt  }
0x4e: {  	_ =	shalt  }
0x4f: {  	_ =	shalt  }
0x50: {  	_ =	shalt  }
0x51: {  	_ =	shalt  }
0x52: {  	_ =	shalt  }
0x53: {  	_ =	shalt  }
0x54: {  	_ =	shalt  }
0x55: {  	_ =	shalt  }
0x56: {  	_ =	shalt  }
0x57: {  	_ =	shalt  }
0x58: {  	_ =	shalt  }
0x59: {  	_ =	shalt  }
0x5a: {  	_ =	shalt  }
0x5b: {  	_ =	shalt  }
0x5c: {  	_ =	shalt  }
0x5d: {  	_ =	shalt  }
0x5e: {  	_ =	shalt  }
0x5f: {  	_ =	shalt  }
0x60: {  	_ =	shalt  }
0x61: {  	_ =	shalt  }
0x62: {  	_ =	shalt  }
0x63: {  	_ =	shalt  }
0x64: {  	_ =	shalt  }
0x65: {  	_ =	shalt  }
0x66: {  	_ =	shalt  }
0x67: {  	_ =	shalt  }
0x68: {  	_ =	shalt  }
0x69: {  	_ =	shalt  }
0x6a: {  	_ =	shalt  }
0x6b: {  	_ =	shalt  }
0x6c: {  	_ =	shalt  }
0x6d: {  	_ =	shalt  }
0x6e: {  	_ =	shalt  }
0x6f: {  	_ =	shalt  }
0x70: {  	_ =	shalt  }
0x71: {  	_ =	shalt  }
0x72: {  	_ =	shalt  }
0x73: {  	_ =	shalt  }
0x74: {  	_ =	shalt  }
0x75: {  	_ =	shalt  }
0x76: {  	_ =	shalt  }
0x77: {  	_ =	shalt  }
0x78: {  	_ =	shalt  }
0x79: {  	_ =	shalt  }
0x7a: {  	_ =	shalt  }
0x7b: {  	_ =	shalt  }
0x7c: {  	_ =	shalt  }
0x7d: {  	_ =	shalt  }
0x7e: {  	_ =	shalt  }
0x7f: {  	_ =	shalt  }
0x80: {  	_ =	shalt  }
0x81: {  	_ =	shalt  }
0x82: {  	_ =	shalt  }
0x83: {  	_ =	shalt  }
0x84: {  	_ =	shalt  }
0x85: {  	_ =	shalt  }
0x86: {  	_ =	shalt  }
0x87: {  	_ =	shalt  }
.Lfunc_end0:
.L_simem_size_0:
called_computation_lowered:
.L_overlay_start_0:
0x88: {  	s0 =	sld [smem:$0x3FD9]  }
0x89: {  	s1 =	sld [smem:$0x3FFE];
	_ =	sdelay $0x3  }
0x8a: {  	s0 =	sadd.s32 s1, s0  }
0x8b: {  	[smem:$0x3FC2] =	sst s0  }
0x8c: {  	_ = 	snop  }
0x8d: {  	s0 =	sld [smem:$0x3FC9];
	(tm) =	ssettm $0x1  }
0x8e: {  	s16 =	sld [smem:$0x3FFB];
	_ =	sdelay $0x3  }
0x8f: {  	_ =	strace s16  }
0x90: {  	s1 =	sld [smem:$0x3FFC];
	_ =	sdelay $0x3  }
0x91: {  	_ =	strace s1  }
0x92: {  	s1 =	sld [smem:$0x3FFD];
	_ =	sdelay $0x3  }
0x93: {  	_ =	strace s1  }
0x94: {  	_ =	strace $0x8FFFFFFF  }
0x95: {  	s17 =	sld [smem:$0x3FDB];
	_ =	sdelay $0x1  }
0x96: {  	s2 =	simm.s32 $_scs_section_size  }
0x97: {  	s3 =	simm.s32 $_size__tile_overlayer_lowered;
	s4 =	simm.s32 $_tile_overlayer_lowered  }
0x98: {  	s20 =	simm.s32 $0x1BFF;
	s19 =	sshll.u32 s4, $0x1;
	s1 =	sadd.s32 s2, s17  }
0x99: {  	s5 =	simm.s32 $0x0;
	s18 =	sshll.u32 s3, $0x1;
	s3 =	sadd.s32 s19, s1  }
0x9a: {  	[timem:s5], [sflag:s20] =	dma.local [hbm:s3], s18  }
0x9b: {  	_ =	swait.ge [sflag:s20], s18  }
0x9c: {  	s2 =	ssub.s32 $0x0, s18;
	[sflag:s20] =	ssyncset.done $0x0  }
0x9d: {  	[sflag:s20] =	ssyncadd.s32 s2;
	_ =	sdelay $0x1  }
0x9e: {  	s21 =	simm.s32 $0x1B8B  }
0x9f: {  	_ =	swait.ge [sflag:s21], $0x1  }
0xa0: {  	[sflag:s21] =	ssyncset.done $0x0  }
0xa1: {  	s23 =	simm.s32 $0x1B8E;
	s22 =	sld [smem:$0x3FFE];
	[sflag:s21] =	ssyncadd.s32 $0xFFFFFFFF  }
0xa2: {  	s24 =	simm.s32 $execute0_lowered;
	[smem:$0x3FD2] =	sst s23  }
0xa3: {  	s3 =	sshll.u32 s24, $0x1;
	_ =	strace $0x80000046;
	[dreg:$0x1] =	wrdreg $0xFFFFFFFF  }
0xa4: {  	s25 =	simm.s32 $_size_execute0_lowered;
	s1 =	sadd.s32 s1, s3;
	[dreg:$0x0] =	wrdreg $0x0  }
0xa5: {  	s3 =	sshll.u32 s25, $0x1;
	[dreg:$0x2] =	wrdreg s1  }
0xa6: {  	[dreg:$0x3] =	wrdreg s3  }
0xa7: {  	[dreg:$0x4] =	wrdreg $0xC0  }
0xa8: {  	_ =	task [dreg:s5], $0x5FFFF  }
0xa9: {  	[dreg:$0x1] =	wrdreg $0xFFFFFFFF  }
0xaa: {  	[dreg:$0x0] =	wrdreg $0x60  }
0xab: {  	[dreg:$0x2] =	wrdreg s0  }
0xac: {  	[dreg:$0x3] =	wrdreg s22  }
0xad: {  	[dreg:$0x4] =	wrdreg $0x0  }
0xae: {  	[dreg:$0x5] =	wrdreg $0x9  }
0xaf: {  	_ =	task.clear_ibuf [dreg:s5], $0x6FFFF;
	_ =	strace $0x90000046  }
0xb0: {  	s26 =	simm.s32 $0x9;
	_ =	strace $0x80000048  }
0xb1: {  	_ =	swait.ge [sflag:s26], $0x1  }
0xb2: {  	[sflag:s26] =	ssyncadd.s32 $0xFFFFFFFF  }
0xb3: {  	_ =	strace $0x90000048  }
0xb4: {  	_ =	sfence  }
0xb5: {  	s28 =	sld [smem:$0x0];
	_ =	sdelay $0x1  }
0xb6: {  	s29 =	srdreg.scid  }
0xb7: {  	s30 =	sshll.u32 s29, $0xD;
	s31 =	sshrl.u32 s29, $0x2  }
0xb8: {  	s2 =	sand.u32 $0x4000, s30;
	s1 =	sand.u32 $0x1, s29;
	s0 =	sadd.s32 s31, s28  }
0xb9: {  	s1 =	sor.u32 s2, s1;
	s0 =	sshll.u32 s0, $0x11  }
0xba: {  	s0 =	sor.u32 s0, s1  }
0xbb: {  	s0 =	sadd.s32 $0x8F2B, s0  }
0xbc: {  	[sflag:s0] =	ssyncadd.remote.s32 $0x1  }
0xbd: {  	_ =	sfence.sel $0xFFFF  }
0xbe: {  	[dreg:$0x0] =	wrdreg $0xFFFFFFFF;
	(pc) =	sbr.abs _section_cstart, $3  }
0xbf: {  	[dreg:$0x1] =	wrdreg $0xFFFFFFFF  }
0xc0: {  	_ =	task.clear_ibuf [dreg:s5], $0x2FFFF;
	_ =	strace $0x9FFFFFFF  }
0xc1: {  	(tm) =	ssettm $0x7FFFFFFF  }
tec
execute0_lowered:
.L_overlay_start_1:
0x0: {  	(tag) =	ssettag $0x1  }
0x1: {  	s5 =	rddreg [dreg:$0x0]  }
0x2: {  	s19 =	rddreg [dreg:$0x1];
	s0 =	stileid.u32  }
0x3: {  	s2 =	rddreg [dreg:$0x2];
	s3 =	smul.u32 $0x4F000, s0  }
0x4: {  	s1 =	rddreg [dreg:$0x3];
	s6 =	simm.s32 $0x0  }
0x5: {  	[smem:$0x7FF] =	sst s6;
	s3 =	sshrl.u32 s3, $0x2  }
0x6: {  	s26 =	sshll.u32 s0, $0x6;
	s7 =	sadd.s32 $0x15200, s19;
	s4 =	sadd.s32 s3, s2  }
0x7: {  	_ =	strace $0x80000047;
	s3 =	sor.u32 $0x1C03, s26;
	s4 =	sshrl.u32 s4, $0x3  }
0x8: {  	[spmem:s4], [sflag:s3] =	dma.local [hbm:s7], $0x2780  }
0x9: {  	s7 =	simm.s32 $0x3  }
0xa: {  	s8 =	smul.u32 $0x5100, s0;
	_ =	swait.ge [sflag:s7], $0x2780  }
0xb: {  	s17 =	sadd.s32 $0xB000, s19;
	[sflag:s7] =	ssyncset.done $0x0  }
0xc: {  	s18 =	sadd.s32 $0xE00, s19;
	s11 =	sshrl.u32 s8, $0x3;
	[sflag:s7] =	ssyncadd.s32 $0xFFFFD880  }
0xd: {  	s8 =	simm.s32 $0x13C00;
	s9 =	sadd.s32 s17, s11;
	[bflag:$0x0] =	sbarrier.arrive $0xFFFF  }
0xe: {  	[tilespmem:s8], [sflag:$0x2] =	stream.linear.gather [hbm4b:s9+s6], $0x80, $0x38;
	[tilespmem:$0x1BE00] =	vst v63  }
0xf: {  	s10 =	sadd.s32 s18, s11;
	s9 =	simm.s32 $0x13D00  }
0x10: {  	[tilespmem:s9], [sflag:$0x2] =	stream.linear.gather [hbm4b:s10+s6], $0x80, $0x38;
	[tilespmem:$0x1BE00] =	vst v63  }
0x11: {  	s10 =	simm.s32 $0x2  }
0x12: {  	_ =	swait.ge [sflag:s10], $0x80  }
0x13: {  	[sflag:s10] =	ssyncset.done $0x0  }
0x14: {  	[sflag:s10] =	ssyncadd.s32 $0xFFFFFF80  }
0x15: {  	_ =	swait.ge [sflag:s10], $0x80  }
0x16: {  	s12 =	simm.s32 $0x13E00;
	[sflag:s10] =	ssyncset.done $0x0  }
0x17: {  	s14 =	sor.u32 $0x10, s11;
	s11 =	simm.s32 $0x80;
	[sflag:s10] =	ssyncadd.s32 $0xFFFFFF80  }
0x18: {  	[tilespmem:s12], [sflag:$0x1] =	stream.indirect.gather [hbm4b:s5+s11], $0x80, s8, s11, $0xb8;
	[tilespmem:$0x1BE00] =	vst v63  }
0x19: {  	s13 =	simm.s32 $0x13C80;
	s15 =	sadd.s32 s17, s14  }
0x1a: {  	[tilespmem:s13], [sflag:$0x2] =	stream.linear.gather [hbm4b:s15+s6], $0x80, $0x38;
	[tilespmem:$0x1BE00] =	vst v63  }
0x1b: {  	s28 =	sadd.s32 s18, s14;
	s14 =	simm.s32 $0x13D80  }
0x1c: {  	[tilespmem:s14], [sflag:$0x2] =	stream.linear.gather [hbm4b:s28+s6], $0x80, $0x38;
	[tilespmem:$0x1BE00] =	vst v63  }
0x1d: {  	_ =	swait.ge [sflag:s10], $0x80  }
0x1e: {  	[sflag:s10] =	ssyncset.done $0x0  }
0x1f: {  	[sflag:s10] =	ssyncadd.s32 $0xFFFFFF80  }
0x20: {  	_ =	swait.ge [sflag:s10], $0x80  }
0x21: {  	[sflag:s10] =	ssyncset.done $0x0  }
0x22: {  	s16 =	simm.s32 $0x1;
	s15 =	simm.s32 $0x17E00;
	[sflag:s10] =	ssyncadd.s32 $0xFFFFFF80  }
0x23: {  	[tilespmem:s15], [sflag:$0x1] =	stream.indirect.gather [hbm4b:s5+s11], $0x80, s13, s11, $0xb8;
	[tilespmem:$0x1BE00] =	vst v63  }
0x24: {  	_ =	swait.ge [sflag:s16], $0x4000  }
0x25: {  	[sflag:s16] =	ssyncset.done $0x0  }
0x26: {  	s20 =	smul.u32 $0xA20, s0;
	[sflag:s16] =	ssyncadd.s32 $0xFFFFC000  }
0x27: {  	[spmem:s2] =	stream.indirect.scatter.add.f32 [tilespmem:s12], [sflag:$0x3], $0x80, s9, s11, $0xb8;
	[tilespmem:$0x1BE00] =	vst v63  }
0x28: {  	s17 =	sadd.s32 s20, s17;
	_ =	swait.ge [sflag:s7], $0x4000  }
0x29: {  	s18 =	sadd.s32 s20, s18;
	s29 =	sadd.s32 $0xFFFFF600, s17;
	[sflag:s7] =	ssyncset.done $0x0  }
0x2a: {  	s22 =	sadd.s32 $0xFFFFF600, s18;
	s21 =	sadd.s32 $0xA20, s29;
	[sflag:s7] =	ssyncadd.s32 $0xFFFFC000  }
0x2b: {  	[tilespmem:s8], [sflag:$0x2] =	stream.linear.gather [hbm4b:s21+s6], $0x80, $0x38;
	[tilespmem:$0x1BE00] =	vst v63  }
0x2c: {  	s30 =	sadd.s32 $0xA20, s22  }
0x2d: {  	[tilespmem:s9], [sflag:$0x2] =	stream.linear.gather [hbm4b:s30+s6], $0x80, $0x38;
	[tilespmem:$0x1BE00] =	vst v63  }
0x2e: {  	_ =	swait.ge [sflag:s10], $0x80  }
0x2f: {  	[sflag:s10] =	ssyncset.done $0x0  }
0x30: {  	[sflag:s10] =	ssyncadd.s32 $0xFFFFFF80  }
0x31: {  	_ =	swait.ge [sflag:s10], $0x80  }
0x32: {  	[sflag:s10] =	ssyncset.done $0x0  }
0x33: {  	[sflag:s10] =	ssyncadd.s32 $0xFFFFFF80  }
0x34: {  	[tilespmem:s12], [sflag:$0x1] =	stream.indirect.gather [hbm4b:s5+s11], $0x80, s8, s11, $0xb8;
	[tilespmem:$0x1BE00] =	vst v63  }
0x35: {  	_ =	swait.ge [sflag:s16], $0x4000  }
0x36: {  	[sflag:s16] =	ssyncset.done $0x0  }
0x37: {  	[sflag:s16] =	ssyncadd.s32 $0xFFFFC000  }
0x38: {  	[spmem:s2] =	stream.indirect.scatter.add.f32 [tilespmem:s15], [sflag:$0x3], $0x80, s14, s11, $0xb8;
	[tilespmem:$0x1BE00] =	vst v63  }
0x39: {  	_ =	swait.ge [sflag:s7], $0x4000  }
0x3a: {  	[sflag:s7] =	ssyncset.done $0x0  }
0x3b: {  	s20 =	sadd.s32 $0xA30, s29;
	[sflag:s7] =	ssyncadd.s32 $0xFFFFC000  }
0x3c: {  	[tilespmem:s13], [sflag:$0x2] =	stream.linear.gather [hbm4b:s20+s6], $0x80, $0x38;
	[tilespmem:$0x1BE00] =	vst v63  }
0x3d: {  	s31 =	sadd.s32 $0xA30, s22  }
0x3e: {  	[tilespmem:s14], [sflag:$0x2] =	stream.linear.gather [hbm4b:s31+s6], $0x80, $0x38;
	[tilespmem:$0x1BE00] =	vst v63  }
0x3f: {  	_ =	swait.ge [sflag:s10], $0x80  }
0x40: {  	[sflag:s10] =	ssyncset.done $0x0  }
0x41: {  	[sflag:s10] =	ssyncadd.s32 $0xFFFFFF80  }
0x42: {  	_ =	swait.ge [sflag:s10], $0x80  }
0x43: {  	[sflag:s10] =	ssyncset.done $0x0  }
0x44: {  	s19 =	sadd.s32 $0x17A00, s19;
	s20 =	simm.s32 $0xFFFFF620;
	[sflag:s10] =	ssyncadd.s32 $0xFFFFFF80  }
.LBB2_1:
0x45: {  	[tilespmem:s15], [sflag:$0x1] =	stream.indirect.gather [hbm4b:s5+s11], $0x80, s13, s11, $0xb8;
	[tilespmem:$0x1BE00] =	vst v63  }
0x46: {  	s21 =	smov.u32 s20  }
0x47: {  	p0 =	sne.s32 s20, $0xFFFFFFE0;
	s20 =	sadd.s32 $0x20, s20;
	_ =	swait.ge [sflag:s16], $0x4000  }
0x48: {  	[sflag:s16] =	ssyncset.done $0x0  }
0x49: {  	[sflag:s16] =	ssyncadd.s32 $0xFFFFC000  }
0x4a: {  	[spmem:s2] =	stream.indirect.scatter.add.f32 [tilespmem:s12], [sflag:$0x3], $0x80, s9, s11, $0xb8;
	[tilespmem:$0x1BE00] =	vst v63  }
0x4b: {  	_ =	swait.ge [sflag:s7], $0x4000  }
0x4c: {  	s22 =	sadd.s32 s21, s17;
	[sflag:s7] =	ssyncset.done $0x0  }
0x4d: {  	s21 =	sadd.s32 s21, s18;
	s23 =	sadd.s32 $0xA20, s22;
	[sflag:s7] =	ssyncadd.s32 $0xFFFFC000  }
0x4e: {  	[tilespmem:s8], [sflag:$0x2] =	stream.linear.gather [hbm4b:s23+s6], $0x80, $0x38;
	[tilespmem:$0x1BE00] =	vst v63  }
0x4f: {  	s23 =	sadd.s32 $0xA20, s21  }
0x50: {  	[tilespmem:s9], [sflag:$0x2] =	stream.linear.gather [hbm4b:s23+s6], $0x80, $0x38;
	[tilespmem:$0x1BE00] =	vst v63  }
0x51: {  	_ =	swait.ge [sflag:s10], $0x80  }
0x52: {  	[sflag:s10] =	ssyncset.done $0x0  }
0x53: {  	[sflag:s10] =	ssyncadd.s32 $0xFFFFFF80  }
0x54: {  	_ =	swait.ge [sflag:s10], $0x80  }
0x55: {  	[sflag:s10] =	ssyncset.done $0x0  }
0x56: {  	[sflag:s10] =	ssyncadd.s32 $0xFFFFFF80  }
0x57: {  	[tilespmem:s12], [sflag:$0x1] =	stream.indirect.gather [hbm4b:s5+s11], $0x80, s8, s11, $0xb8;
	[tilespmem:$0x1BE00] =	vst v63  }
0x58: {  	_ =	swait.ge [sflag:s16], $0x4000  }
0x59: {  	[sflag:s16] =	ssyncset.done $0x0  }
0x5a: {  	[sflag:s16] =	ssyncadd.s32 $0xFFFFC000  }
0x5b: {  	[spmem:s2] =	stream.indirect.scatter.add.f32 [tilespmem:s15], [sflag:$0x3], $0x80, s14, s11, $0xb8;
	[tilespmem:$0x1BE00] =	vst v63  }
0x5c: {  	_ =	swait.ge [sflag:s7], $0x4000  }
0x5d: {  	[sflag:s7] =	ssyncset.done $0x0  }
0x5e: {  	s22 =	sadd.s32 $0xA30, s22;
	[sflag:s7] =	ssyncadd.s32 $0xFFFFC000  }
0x5f: {  	[tilespmem:s13], [sflag:$0x2] =	stream.linear.gather [hbm4b:s22+s6], $0x80, $0x38;
	[tilespmem:$0x1BE00] =	vst v63  }
0x60: {  	s21 =	sadd.s32 $0xA30, s21  }
0x61: {  	[tilespmem:s14], [sflag:$0x2] =	stream.linear.gather [hbm4b:s21+s6], $0x80, $0x38;
	[tilespmem:$0x1BE00] =	vst v63  }
0x62: {  	_ =	swait.ge [sflag:s10], $0x80  }
.Ltmp0:
0x63: {  	[sflag:s10] =	ssyncset.done $0x0;
	(pc) =	sbr.rel @p0 .LBB2_1-.Ltmp0, $4  }
0x64: {  	[sflag:s10] =	ssyncadd.s32 $0xFFFFFF80  }
0x65: {  	_ =	swait.ge [sflag:s10], $0x80  }
0x66: {  	[sflag:s10] =	ssyncset.done $0x0  }
0x67: {  	[sflag:s10] =	ssyncadd.s32 $0xFFFFFF80  }
0x68: {  	[tilespmem:s15], [sflag:$0x1] =	stream.indirect.gather [hbm4b:s5+s11], $0x80, s13, s11, $0xb8;
	[tilespmem:$0x1BE00] =	vst v63  }
0x69: {  	s26 =	simm.s32 $0x1  }
0x6a: {  	_ =	swait.ge [sflag:s26], $0x4000  }
0x6b: {  	s6 =	simm.s32 $0x80;
	s7 =	simm.s32 $0x13D00;
	[sflag:s26] =	ssyncset.done $0x0  }
0x6c: {  	s8 =	simm.s32 $0x13E00;
	s28 =	simm.s32 $0x3;
	[sflag:s26] =	ssyncadd.s32 $0xFFFFC000  }
0x6d: {  	[spmem:s2] =	stream.indirect.scatter.add.f32 [tilespmem:s8], [sflag:$0x3], $0x80, s7, s6, $0xb8;
	[tilespmem:$0x1BE00] =	vst v63  }
0x6e: {  	_ =	swait.ge [sflag:s28], $0x4000  }
0x6f: {  	[sflag:s28] =	ssyncset.done $0x0  }
0x70: {  	[sflag:s28] =	ssyncadd.s32 $0xFFFFC000  }
0x71: {  	_ =	swait.ge [sflag:s26], $0x4000  }
0x72: {  	[sflag:s26] =	ssyncset.done $0x0  }
0x73: {  	s29 =	simm.s32 $0x13D80;
	s30 =	simm.s32 $0x17E00;
	[sflag:s26] =	ssyncadd.s32 $0xFFFFC000  }
0x74: {  	[spmem:s2] =	stream.indirect.scatter.add.f32 [tilespmem:s30], [sflag:$0x3], $0x80, s29, s6, $0xb8;
	[tilespmem:$0x1BE00] =	vst v63  }
0x75: {  	_ =	swait.ge [sflag:s28], $0x4000  }
0x76: {  	s31 =	smul.u32 $0x2780, s0;
	[sflag:s28] =	ssyncset.done $0x0  }
0x77: {  	[sflag:s28] =	ssyncadd.s32 $0xFFFFC000  }
0x78: {  	s2 =	sadd.s32 s31, s19;
	[bflag:$0x0] =	sbarrier.arrive $0xFFFF  }
0x79: {  	[hbm:s2], [sflag:s3] =	dma.local [spmem:s4], $0x2780  }
0x7a: {  	_ =	swait.ge [sflag:s28], $0x2780  }
0x7b: {  	[sflag:s28] =	ssyncset.done $0x0  }
0x7c: {  	[sflag:s28] =	ssyncadd.s32 $0xFFFFD880  }
0x7d: {  	_ =	sfence.sel $0x180000  }
0x7e: {  	[bflag:$0x0] =	sbarrier.arrive $0xFFFF  }
0x7f: {  	p0 =	sne.s32 s0, $0x0;
	_ =	strace $0x90000047  }
0x80: {  	s0 =	sadd.s32 @!p0 $0x100000, s1;
	[bflag:$0x2] =	sbarrier.arrive $0xFFFF  }
0x81: {  	[sflag:s0] =	ssyncadd.tile.s32 @!p0 $0x1;
	_ =	shalt  }
.Lfunc_end2:
_tile_overlayer_lowered:
.L_overlay_start_2:
0x82: {  	(tag) =	ssettag $0x2  }
0x83: {  	s0 =	rddreg [dreg:$0x0];
	s2 =	stileid.u32  }
0x84: {  	s1 =	rddreg [dreg:$0x1];
	p0 =	sne.s32 s2, $0x0  }
0x85: {  	s3 =	rddreg [dreg:$0x2];
	[bflag:$0x3] =	sbarrier.arrive $0xFFFF;
	s2 =	simm.s32 @!p0 $0x1C03  }
0x86: {  	[timem:s3], [sflag:s2] =	dma.local @!p0 [hbm:s0], s1  }
0x87: {  	s0 =	simm.s32 @!p0 $0x3  }
0x88: {  	_ =	swait.ge @!p0 [sflag:s0], s1  }
0x89: {  	s1 =	ssub.s32 @!p0 $0x0, s1;
	[sflag:s0] =	ssyncset.done @!p0 $0x0  }
0x8a: {  	[sflag:s0] =	ssyncadd.s32 @!p0 s1  }
0x8b: {  	[bflag:$0x3] =	sbarrier.arrive $0xFFFF  }
0x8c: {  	_ =	shalt  }

// kernel: kernel.9.cloned.1.call-start
scs
__scs_entry_jumppad:
0x0: {  	(pc) =	sbr.rel $0x88, $3  }
0x1: {  	(tag) =	ssettag $0x0;
	lr =	simm.s32 $0x1  }
0x2: {  	[smem:$0x3F9B] =	sst lr;
	_ =	strace $0xD0000000  }
0x3: {  	_ = 	snop  }
0x4: {  	_ = 	snop  }
0x5: {  	_ = 	snop  }
0x6: {  	_ = 	snop  }
0x7: {  	_ = 	snop  }
__scs_overlays_trampoline_lowered:
0x8: {  	[smem:$0x3FAA] =	sst s0  }
0x9: {  	[smem:$0x3FAB] =	sst s1  }
0xa: {  	[smem:$0x3FAC] =	sst s2  }
0xb: {  	[smem:$0x3FAD] =	sst s3  }
0xc: {  	[smem:$0x3FAE] =	sst s4  }
0xd: {  	[smem:$0x3FAF] =	sst s5  }
0xe: {  	[smem:$0x3FB0] =	sst s6  }
0xf: {  	[smem:$0x3FB1] =	sst s7  }
0x10: {  	[smem:$0x3FB2] =	sst s8  }
0x11: {  	[smem:$0x3FB3] =	sst s9;
	s0 =	simm.s32 @!p0 $0x0  }
0x12: {  	s1 =	sld [smem:$0x3F99];
	s0 =	simm.s32 @p0 $0x1  }
0x13: {  	[smem:$0x3FB4] =	sst s0;
	s0 =	simm.s32 @!p1 $0x0  }
0x14: {  	s2 =	sld [smem:$0x3F98];
	s0 =	simm.s32 @p1 $0x1  }
0x15: {  	[smem:$0x3FB5] =	sst s0;
	s0 =	simm.s32 @!p2 $0x0  }
0x16: {  	s3 =	sld [smem:$0x3FDB];
	s0 =	simm.s32 @p2 $0x1  }
0x17: {  	s4 =	simm.s32 $0x1BF5;
	[smem:$0x3FB7] =	sst s0  }
0x18: {  	s0 =	sld [smem:$0x3F9A];
	_ =	swait.ge [sflag:s4], $0x0  }
0x19: {  	s7 =	sld [smem:$0x3F9B]  }
0x1a: {  	s8 =	sadd.s32 $0xFFFFE003, lr  }
0x1b: {  	s9 =	sadd.s32 $0xFFFFFEF7, lr;
	s5 =	simm.s32 $0xFFFFFFFF;
	p2 =	slt.u32 s8, $0xFFFFF086  }
0x1c: {  	p1 =	slt.u32 s9, $0xF7A;
	s5 =	simm.s32 @!p2 $0x0  }
0x1d: {  	s5 =	simm.s32 @p1 $0x1;
	p0 =	seq.s32 s7, s2  }
0x1e: {  	s7 =	smul.u32 @!p0 $0xF7A, s2;
	p2 =	seq.s32 @!p0 s5, $0x0  }
0x1f: {  	s9 =	smul.u32 $0xF7A, s1;
	s8 =	simm.s32 @!p0 $0x1BF5;
	p2 =	por !p2, p0  }
0x20: {  	[sflag:s8] =	ssyncset.s32 @!p0 $0xFFFFF086;
	s6 =	sadd.s32 @!p0 s3, s7;
	s7 =	simm.s32 @!p0 $0x108  }
0x21: {  	s3 =	sadd.s32 s3, s9;
	s6 =	sadd.s32 @!p0 $0x88, s6;
	s7 =	simm.s32 @p2 $0x1082  }
0x22: {  	[simem:s7], [sflag:s8] =	dma.local @!p0 [hbm:s6], $0xF7A  }
0x23: {  	s9 =	sor.u32 $0xD0000000, s2;
	s6 =	simm.s32 $0x108;
	_ =	swait.ge @!p0 [sflag:s8], $0x0  }
0x24: {  	s3 =	sadd.s32 $0x88, s3;
	s6 =	simm.s32 @!p1 $0x1082;
	[sflag:s4] =	ssyncset.s32 $0xFFFFF086  }
0x25: {  	[simem:s6], [sflag:s4] =	dma.local [hbm:s3], $0xF7A  }
0x26: {  	[smem:$0x3F9B] =	sst s1;
	(tag) =	ssettag s2;
	_ =	strace s9  }
0x27: {  	s1 =	sld [smem:$0x3FAB]  }
0x28: {  	s2 =	sld [smem:$0x3FAC]  }
0x29: {  	s4 =	sld [smem:$0x3FAE]  }
0x2a: {  	p0 =	seq.s32 s5, $0x0;
	s5 =	sld [smem:$0x3FAF]  }
0x2b: {  	s6 =	sld [smem:$0x3FB0]  }
0x2c: {  	s7 =	sld [smem:$0x3FB1]  }
0x2d: {  	s3 =	simm.s32 $0x108;
	s8 =	sld [smem:$0x3FB2]  }
0x2e: {  	s3 =	simm.s32 @!p0 $0x1082;
	s9 =	sld [smem:$0x3FB3]  }
0x2f: {  	lr =	sadd.s32 s0, s3;
	s0 =	sld [smem:$0x3FAA]  }
0x30: {  	s3 =	sld [smem:$0x3FAD]  }
0x31: {  	[smem:$0x3FB6] =	sst s10  }
0x32: {  	s10 =	sld [smem:$0x3FB4];
	_ =	sdelay $0x3  }
0x33: {  	p0 =	seq.s32 s10, $0x1;
	s10 =	sld [smem:$0x3FB6];
	_ =	sdelay $0x3  }
0x34: {  	[smem:$0x3FB6] =	sst s10  }
0x35: {  	s10 =	sld [smem:$0x3FB5];
	_ =	sdelay $0x3  }
0x36: {  	p1 =	seq.s32 s10, $0x1;
	s10 =	sld [smem:$0x3FB6];
	_ =	sdelay $0x3  }
0x37: {  	[smem:$0x3FB6] =	sst s10  }
0x38: {  	s10 =	sld [smem:$0x3FB7]  }
0x39: {  	_ = 	snop;
	(pc) =	sbr.ind lr, $3  }
0x3a: {  	_ = 	snop  }
0x3b: {  	_ = 	snop  }
0x3c: {  	p2 =	seq.s32 s10, $0x1;
	s10 =	sld [smem:$0x3FB6]  }
0x3d: {  	_ =	shalt  }
0x3e: {  	_ =	shalt  }
0x3f: {  	_ =	shalt  }
0x40: {  	_ =	shalt  }
0x41: {  	_ =	shalt  }
0x42: {  	_ =	shalt  }
0x43: {  	_ =	shalt  }
0x44: {  	_ =	shalt  }
0x45: {  	_ =	shalt  }
0x46: {  	_ =	shalt  }
0x47: {  	_ =	shalt  }
0x48: {  	_ =	shalt  }
0x49: {  	_ =	shalt  }
0x4a: {  	_ =	shalt  }
0x4b: {  	_ =	shalt  }
0x4c: {  	_ =	shalt  }
0x4d: {  	_ =	shalt  }
0x4e: {  	_ =	shalt  }
0x4f: {  	_ =	shalt  }
0x50: {  	_ =	shalt  }
0x51: {  	_ =	shalt  }
0x52: {  	_ =	shalt  }
0x53: {  	_ =	shalt  }
0x54: {  	_ =	shalt  }
0x55: {  	_ =	shalt  }
0x56: {  	_ =	shalt  }
0x57: {  	_ =	shalt  }
0x58: {  	_ =	shalt  }
0x59: {  	_ =	shalt  }
0x5a: {  	_ =	shalt  }
0x5b: {  	_ =	shalt  }
0x5c: {  	_ =	shalt  }
0x5d: {  	_ =	shalt  }
0x5e: {  	_ =	shalt  }
0x5f: {  	_ =	shalt  }
0x60: {  	_ =	shalt  }
0x61: {  	_ =	shalt  }
0x62: {  	_ =	shalt  }
0x63: {  	_ =	shalt  }
0x64: {  	_ =	shalt  }
0x65: {  	_ =	shalt  }
0x66: {  	_ =	shalt  }
0x67: {  	_ =	shalt  }
0x68: {  	_ =	shalt  }
0x69: {  	_ =	shalt  }
0x6a: {  	_ =	shalt  }
0x6b: {  	_ =	shalt  }
0x6c: {  	_ =	shalt  }
0x6d: {  	_ =	shalt  }
0x6e: {  	_ =	shalt  }
0x6f: {  	_ =	shalt  }
0x70: {  	_ =	shalt  }
0x71: {  	_ =	shalt  }
0x72: {  	_ =	shalt  }
0x73: {  	_ =	shalt  }
0x74: {  	_ =	shalt  }
0x75: {  	_ =	shalt  }
0x76: {  	_ =	shalt  }
0x77: {  	_ =	shalt  }
0x78: {  	_ =	shalt  }
0x79: {  	_ =	shalt  }
0x7a: {  	_ =	shalt  }
0x7b: {  	_ =	shalt  }
0x7c: {  	_ =	shalt  }
0x7d: {  	_ =	shalt  }
0x7e: {  	_ =	shalt  }
0x7f: {  	_ =	shalt  }
0x80: {  	_ =	shalt  }
0x81: {  	_ =	shalt  }
0x82: {  	_ =	shalt  }
0x83: {  	_ =	shalt  }
0x84: {  	_ =	shalt  }
0x85: {  	_ =	shalt  }
0x86: {  	_ =	shalt  }
0x87: {  	_ =	shalt  }
.Lfunc_end0:
.L_simem_size_0:
called_computation.1_lowered:
.L_overlay_start_0:
0x88: {  	s0 =	sld [smem:$0x3FD9]  }
0x89: {  	s1 =	sld [smem:$0x3FFE];
	_ =	sdelay $0x3  }
0x8a: {  	s0 =	sadd.s32 s1, s0  }
0x8b: {  	[smem:$0x3FC2] =	sst s0  }
0x8c: {  	_ = 	snop  }
0x8d: {  	s0 =	sld [smem:$0x3FD0];
	(tm) =	ssettm $0x1  }
0x8e: {  	s16 =	sld [smem:$0x3FFB];
	_ =	sdelay $0x3  }
0x8f: {  	_ =	strace s16  }
0x90: {  	s1 =	sld [smem:$0x3FFC];
	_ =	sdelay $0x3  }
0x91: {  	_ =	strace s1  }
0x92: {  	s1 =	sld [smem:$0x3FFD];
	_ =	sdelay $0x3  }
0x93: {  	_ =	strace s1  }
0x94: {  	_ =	strace $0x8FFFFFFF  }
0x95: {  	s17 =	sld [smem:$0x3FDB];
	_ =	sdelay $0x1  }
0x96: {  	s2 =	simm.s32 $_scs_section_size  }
0x97: {  	s3 =	simm.s32 $_size__tile_overlayer_lowered;
	s4 =	simm.s32 $_tile_overlayer_lowered  }
0x98: {  	s20 =	simm.s32 $0x1BFF;
	s19 =	sshll.u32 s4, $0x1;
	s1 =	sadd.s32 s2, s17  }
0x99: {  	s5 =	simm.s32 $0x0;
	s18 =	sshll.u32 s3, $0x1;
	s3 =	sadd.s32 s19, s1  }
0x9a: {  	[timem:s5], [sflag:s20] =	dma.local [hbm:s3], s18  }
0x9b: {  	_ =	swait.ge [sflag:s20], s18  }
0x9c: {  	s2 =	ssub.s32 $0x0, s18;
	[sflag:s20] =	ssyncset.done $0x0  }
0x9d: {  	[sflag:s20] =	ssyncadd.s32 s2;
	_ =	sdelay $0x1  }
0x9e: {  	s21 =	simm.s32 $0x1B8B  }
0x9f: {  	_ =	swait.ge [sflag:s21], $0x1  }
0xa0: {  	[sflag:s21] =	ssyncset.done $0x0  }
0xa1: {  	s23 =	simm.s32 $0x1B8E;
	s22 =	sld [smem:$0x3FFE];
	[sflag:s21] =	ssyncadd.s32 $0xFFFFFFFF  }
0xa2: {  	s24 =	simm.s32 $execute0_lowered;
	[smem:$0x3FD2] =	sst s23  }
0xa3: {  	s3 =	sshll.u32 s24, $0x1;
	_ =	strace $0x80000049;
	[dreg:$0x1] =	wrdreg $0xFFFFFFFF  }
0xa4: {  	s25 =	simm.s32 $_size_execute0_lowered;
	s1 =	sadd.s32 s1, s3;
	[dreg:$0x0] =	wrdreg $0x0  }
0xa5: {  	s3 =	sshll.u32 s25, $0x1;
	[dreg:$0x2] =	wrdreg s1  }
0xa6: {  	[dreg:$0x3] =	wrdreg s3  }
0xa7: {  	[dreg:$0x4] =	wrdreg $0xC0  }
0xa8: {  	_ =	task [dreg:s5], $0x5FFFF  }
0xa9: {  	[dreg:$0x1] =	wrdreg $0xFFFFFFFF  }
0xaa: {  	[dreg:$0x0] =	wrdreg $0x60  }
0xab: {  	[dreg:$0x2] =	wrdreg s0  }
0xac: {  	[dreg:$0x3] =	wrdreg s22  }
0xad: {  	[dreg:$0x4] =	wrdreg $0x0  }
0xae: {  	[dreg:$0x5] =	wrdreg $0x9  }
0xaf: {  	_ =	task.clear_ibuf [dreg:s5], $0x6FFFF;
	_ =	strace $0x90000049  }
0xb0: {  	s26 =	simm.s32 $0x9;
	_ =	strace $0x8000004B  }
0xb1: {  	_ =	swait.ge [sflag:s26], $0x1  }
0xb2: {  	[sflag:s26] =	ssyncadd.s32 $0xFFFFFFFF  }
0xb3: {  	_ =	strace $0x9000004B  }
0xb4: {  	_ =	sfence  }
0xb5: {  	s28 =	sld [smem:$0x0];
	_ =	sdelay $0x1  }
0xb6: {  	s29 =	srdreg.scid  }
0xb7: {  	s30 =	sshll.u32 s29, $0xD;
	s31 =	sshrl.u32 s29, $0x2  }
0xb8: {  	s2 =	sand.u32 $0x4000, s30;
	s1 =	sand.u32 $0x1, s29;
	s0 =	sadd.s32 s31, s28  }
0xb9: {  	s1 =	sor.u32 s2, s1;
	s0 =	sshll.u32 s0, $0x11  }
0xba: {  	s0 =	sor.u32 s0, s1  }
0xbb: {  	s0 =	sadd.s32 $0x8F2B, s0  }
0xbc: {  	[sflag:s0] =	ssyncadd.remote.s32 $0x1  }
0xbd: {  	_ =	sfence.sel $0xFFFF  }
0xbe: {  	[dreg:$0x0] =	wrdreg $0xFFFFFFFF;
	(pc) =	sbr.abs _section_cstart, $3  }
0xbf: {  	[dreg:$0x1] =	wrdreg $0xFFFFFFFF  }
0xc0: {  	_ =	task.clear_ibuf [dreg:s5], $0x2FFFF;
	_ =	strace $0x9FFFFFFF  }
0xc1: {  	(tm) =	ssettm $0x7FFFFFFF  }
tec
execute0_lowered:
.L_overlay_start_1:
0x0: {  	(tag) =	ssettag $0x1  }
0x1: {  	s5 =	rddreg [dreg:$0x0]  }
0x2: {  	s19 =	rddreg [dreg:$0x1];
	s0 =	stileid.u32  }
0x3: {  	s2 =	rddreg [dreg:$0x2];
	s3 =	smul.u32 $0x4F000, s0  }
0x4: {  	s1 =	rddreg [dreg:$0x3];
	s6 =	simm.s32 $0x0  }
0x5: {  	[smem:$0x7FF] =	sst s6;
	s3 =	sshrl.u32 s3, $0x2  }
0x6: {  	s26 =	sshll.u32 s0, $0x6;
	s7 =	sadd.s32 $0x15200, s19;
	s4 =	sadd.s32 s3, s2  }
0x7: {  	_ =	strace $0x8000004A;
	s3 =	sor.u32 $0x1C03, s26;
	s4 =	sshrl.u32 s4, $0x3  }
0x8: {  	[spmem:s4], [sflag:s3] =	dma.local [hbm:s7], $0x2780  }
0x9: {  	s7 =	simm.s32 $0x3  }
0xa: {  	s8 =	smul.u32 $0x5100, s0;
	_ =	swait.ge [sflag:s7], $0x2780  }
0xb: {  	s17 =	sadd.s32 $0xB000, s19;
	[sflag:s7] =	ssyncset.done $0x0  }
0xc: {  	s18 =	sadd.s32 $0xE00, s19;
	s11 =	sshrl.u32 s8, $0x3;
	[sflag:s7] =	ssyncadd.s32 $0xFFFFD880  }
0xd: {  	s8 =	simm.s32 $0x13C00;
	s9 =	sadd.s32 s17, s11;
	[bflag:$0x0] =	sbarrier.arrive $0xFFFF  }
0xe: {  	[tilespmem:s8], [sflag:$0x2] =	stream.linear.gather [hbm4b:s9+s6], $0x80, $0x38;
	[tilespmem:$0x1BE00] =	vst v63  }
0xf: {  	s10 =	sadd.s32 s18, s11;
	s9 =	simm.s32 $0x13D00  }
0x10: {  	[tilespmem:s9], [sflag:$0x2] =	stream.linear.gather [hbm4b:s10+s6], $0x80, $0x38;
	[tilespmem:$0x1BE00] =	vst v63  }
0x11: {  	s10 =	simm.s32 $0x2  }
0x12: {  	_ =	swait.ge [sflag:s10], $0x80  }
0x13: {  	[sflag:s10] =	ssyncset.done $0x0  }
0x14: {  	[sflag:s10] =	ssyncadd.s32 $0xFFFFFF80  }
0x15: {  	_ =	swait.ge [sflag:s10], $0x80  }
0x16: {  	s12 =	simm.s32 $0x13E00;
	[sflag:s10] =	ssyncset.done $0x0  }
0x17: {  	s14 =	sor.u32 $0x10, s11;
	s11 =	simm.s32 $0x80;
	[sflag:s10] =	ssyncadd.s32 $0xFFFFFF80  }
0x18: {  	[tilespmem:s12], [sflag:$0x1] =	stream.indirect.gather [hbm4b:s5+s11], $0x80, s8, s11, $0xb8;
	[tilespmem:$0x1BE00] =	vst v63  }
0x19: {  	s13 =	simm.s32 $0x13C80;
	s15 =	sadd.s32 s17, s14  }
0x1a: {  	[tilespmem:s13], [sflag:$0x2] =	stream.linear.gather [hbm4b:s15+s6], $0x80, $0x38;
	[tilespmem:$0x1BE00] =	vst v63  }
0x1b: {  	s28 =	sadd.s32 s18, s14;
	s14 =	simm.s32 $0x13D80  }
0x1c: {  	[tilespmem:s14], [sflag:$0x2] =	stream.linear.gather [hbm4b:s28+s6], $0x80, $0x38;
	[tilespmem:$0x1BE00] =	vst v63  }
0x1d: {  	_ =	swait.ge [sflag:s10], $0x80  }
0x1e: {  	[sflag:s10] =	ssyncset.done $0x0  }
0x1f: {  	[sflag:s10] =	ssyncadd.s32 $0xFFFFFF80  }
0x20: {  	_ =	swait.ge [sflag:s10], $0x80  }
0x21: {  	[sflag:s10] =	ssyncset.done $0x0  }
0x22: {  	s16 =	simm.s32 $0x1;
	s15 =	simm.s32 $0x17E00;
	[sflag:s10] =	ssyncadd.s32 $0xFFFFFF80  }
0x23: {  	[tilespmem:s15], [sflag:$0x1] =	stream.indirect.gather [hbm4b:s5+s11], $0x80, s13, s11, $0xb8;
	[tilespmem:$0x1BE00] =	vst v63  }
0x24: {  	_ =	swait.ge [sflag:s16], $0x4000  }
0x25: {  	[sflag:s16] =	ssyncset.done $0x0  }
0x26: {  	s20 =	smul.u32 $0xA20, s0;
	[sflag:s16] =	ssyncadd.s32 $0xFFFFC000  }
0x27: {  	[spmem:s2] =	stream.indirect.scatter.add.f32 [tilespmem:s12], [sflag:$0x3], $0x80, s9, s11, $0xb8;
	[tilespmem:$0x1BE00] =	vst v63  }
0x28: {  	s17 =	sadd.s32 s20, s17;
	_ =	swait.ge [sflag:s7], $0x4000  }
0x29: {  	s18 =	sadd.s32 s20, s18;
	s29 =	sadd.s32 $0xFFFFF600, s17;
	[sflag:s7] =	ssyncset.done $0x0  }
0x2a: {  	s22 =	sadd.s32 $0xFFFFF600, s18;
	s21 =	sadd.s32 $0xA20, s29;
	[sflag:s7] =	ssyncadd.s32 $0xFFFFC000  }
0x2b: {  	[tilespmem:s8], [sflag:$0x2] =	stream.linear.gather [hbm4b:s21+s6], $0x80, $0x38;
	[tilespmem:$0x1BE00] =	vst v63  }
0x2c: {  	s30 =	sadd.s32 $0xA20, s22  }
0x2d: {  	[tilespmem:s9], [sflag:$0x2] =	stream.linear.gather [hbm4b:s30+s6], $0x80, $0x38;
	[tilespmem:$0x1BE00] =	vst v63  }
0x2e: {  	_ =	swait.ge [sflag:s10], $0x80  }
0x2f: {  	[sflag:s10] =	ssyncset.done $0x0  }
0x30: {  	[sflag:s10] =	ssyncadd.s32 $0xFFFFFF80  }
0x31: {  	_ =	swait.ge [sflag:s10], $0x80  }
0x32: {  	[sflag:s10] =	ssyncset.done $0x0  }
0x33: {  	[sflag:s10] =	ssyncadd.s32 $0xFFFFFF80  }
0x34: {  	[tilespmem:s12], [sflag:$0x1] =	stream.indirect.gather [hbm4b:s5+s11], $0x80, s8, s11, $0xb8;
	[tilespmem:$0x1BE00] =	vst v63  }
0x35: {  	_ =	swait.ge [sflag:s16], $0x4000  }
0x36: {  	[sflag:s16] =	ssyncset.done $0x0  }
0x37: {  	[sflag:s16] =	ssyncadd.s32 $0xFFFFC000  }
0x38: {  	[spmem:s2] =	stream.indirect.scatter.add.f32 [tilespmem:s15], [sflag:$0x3], $0x80, s14, s11, $0xb8;
	[tilespmem:$0x1BE00] =	vst v63  }
0x39: {  	_ =	swait.ge [sflag:s7], $0x4000  }
0x3a: {  	[sflag:s7] =	ssyncset.done $0x0  }
0x3b: {  	s20 =	sadd.s32 $0xA30, s29;
	[sflag:s7] =	ssyncadd.s32 $0xFFFFC000  }
0x3c: {  	[tilespmem:s13], [sflag:$0x2] =	stream.linear.gather [hbm4b:s20+s6], $0x80, $0x38;
	[tilespmem:$0x1BE00] =	vst v63  }
0x3d: {  	s31 =	sadd.s32 $0xA30, s22  }
0x3e: {  	[tilespmem:s14], [sflag:$0x2] =	stream.linear.gather [hbm4b:s31+s6], $0x80, $0x38;
	[tilespmem:$0x1BE00] =	vst v63  }
0x3f: {  	_ =	swait.ge [sflag:s10], $0x80  }
0x40: {  	[sflag:s10] =	ssyncset.done $0x0  }
0x41: {  	[sflag:s10] =	ssyncadd.s32 $0xFFFFFF80  }
0x42: {  	_ =	swait.ge [sflag:s10], $0x80  }
0x43: {  	[sflag:s10] =	ssyncset.done $0x0  }
0x44: {  	s19 =	sadd.s32 $0x17A00, s19;
	s20 =	simm.s32 $0xFFFFF620;
	[sflag:s10] =	ssyncadd.s32 $0xFFFFFF80  }
.LBB2_1:
0x45: {  	[tilespmem:s15], [sflag:$0x1] =	stream.indirect.gather [hbm4b:s5+s11], $0x80, s13, s11, $0xb8;
	[tilespmem:$0x1BE00] =	vst v63  }
0x46: {  	s21 =	smov.u32 s20  }
0x47: {  	p0 =	sne.s32 s20, $0xFFFFFFE0;
	s20 =	sadd.s32 $0x20, s20;
	_ =	swait.ge [sflag:s16], $0x4000  }
0x48: {  	[sflag:s16] =	ssyncset.done $0x0  }
0x49: {  	[sflag:s16] =	ssyncadd.s32 $0xFFFFC000  }
0x4a: {  	[spmem:s2] =	stream.indirect.scatter.add.f32 [tilespmem:s12], [sflag:$0x3], $0x80, s9, s11, $0xb8;
	[tilespmem:$0x1BE00] =	vst v63  }
0x4b: {  	_ =	swait.ge [sflag:s7], $0x4000  }
0x4c: {  	s22 =	sadd.s32 s21, s17;
	[sflag:s7] =	ssyncset.done $0x0  }
0x4d: {  	s21 =	sadd.s32 s21, s18;
	s23 =	sadd.s32 $0xA20, s22;
	[sflag:s7] =	ssyncadd.s32 $0xFFFFC000  }
0x4e: {  	[tilespmem:s8], [sflag:$0x2] =	stream.linear.gather [hbm4b:s23+s6], $0x80, $0x38;
	[tilespmem:$0x1BE00] =	vst v63  }
0x4f: {  	s23 =	sadd.s32 $0xA20, s21  }
0x50: {  	[tilespmem:s9], [sflag:$0x2] =	stream.linear.gather [hbm4b:s23+s6], $0x80, $0x38;
	[tilespmem:$0x1BE00] =	vst v63  }
0x51: {  	_ =	swait.ge [sflag:s10], $0x80  }
0x52: {  	[sflag:s10] =	ssyncset.done $0x0  }
0x53: {  	[sflag:s10] =	ssyncadd.s32 $0xFFFFFF80  }
0x54: {  	_ =	swait.ge [sflag:s10], $0x80  }
0x55: {  	[sflag:s10] =	ssyncset.done $0x0  }
0x56: {  	[sflag:s10] =	ssyncadd.s32 $0xFFFFFF80  }
0x57: {  	[tilespmem:s12], [sflag:$0x1] =	stream.indirect.gather [hbm4b:s5+s11], $0x80, s8, s11, $0xb8;
	[tilespmem:$0x1BE00] =	vst v63  }
0x58: {  	_ =	swait.ge [sflag:s16], $0x4000  }
0x59: {  	[sflag:s16] =	ssyncset.done $0x0  }
0x5a: {  	[sflag:s16] =	ssyncadd.s32 $0xFFFFC000  }
0x5b: {  	[spmem:s2] =	stream.indirect.scatter.add.f32 [tilespmem:s15], [sflag:$0x3], $0x80, s14, s11, $0xb8;
	[tilespmem:$0x1BE00] =	vst v63  }
0x5c: {  	_ =	swait.ge [sflag:s7], $0x4000  }
0x5d: {  	[sflag:s7] =	ssyncset.done $0x0  }
0x5e: {  	s22 =	sadd.s32 $0xA30, s22;
	[sflag:s7] =	ssyncadd.s32 $0xFFFFC000  }
0x5f: {  	[tilespmem:s13], [sflag:$0x2] =	stream.linear.gather [hbm4b:s22+s6], $0x80, $0x38;
	[tilespmem:$0x1BE00] =	vst v63  }
0x60: {  	s21 =	sadd.s32 $0xA30, s21  }
0x61: {  	[tilespmem:s14], [sflag:$0x2] =	stream.linear.gather [hbm4b:s21+s6], $0x80, $0x38;
	[tilespmem:$0x1BE00] =	vst v63  }
0x62: {  	_ =	swait.ge [sflag:s10], $0x80  }
.Ltmp0:
0x63: {  	[sflag:s10] =	ssyncset.done $0x0;
	(pc) =	sbr.rel @p0 .LBB2_1-.Ltmp0, $4  }
0x64: {  	[sflag:s10] =	ssyncadd.s32 $0xFFFFFF80  }
0x65: {  	_ =	swait.ge [sflag:s10], $0x80  }
0x66: {  	[sflag:s10] =	ssyncset.done $0x0  }
0x67: {  	[sflag:s10] =	ssyncadd.s32 $0xFFFFFF80  }
0x68: {  	[tilespmem:s15], [sflag:$0x1] =	stream.indirect.gather [hbm4b:s5+s11], $0x80, s13, s11, $0xb8;
	[tilespmem:$0x1BE00] =	vst v63  }
0x69: {  	s26 =	simm.s32 $0x1  }
0x6a: {  	_ =	swait.ge [sflag:s26], $0x4000  }
0x6b: {  	s6 =	simm.s32 $0x80;
	s7 =	simm.s32 $0x13D00;
	[sflag:s26] =	ssyncset.done $0x0  }
0x6c: {  	s8 =	simm.s32 $0x13E00;
	s28 =	simm.s32 $0x3;
	[sflag:s26] =	ssyncadd.s32 $0xFFFFC000  }
0x6d: {  	[spmem:s2] =	stream.indirect.scatter.add.f32 [tilespmem:s8], [sflag:$0x3], $0x80, s7, s6, $0xb8;
	[tilespmem:$0x1BE00] =	vst v63  }
0x6e: {  	_ =	swait.ge [sflag:s28], $0x4000  }
0x6f: {  	[sflag:s28] =	ssyncset.done $0x0  }
0x70: {  	[sflag:s28] =	ssyncadd.s32 $0xFFFFC000  }
0x71: {  	_ =	swait.ge [sflag:s26], $0x4000  }
0x72: {  	[sflag:s26] =	ssyncset.done $0x0  }
0x73: {  	s29 =	simm.s32 $0x13D80;
	s30 =	simm.s32 $0x17E00;
	[sflag:s26] =	ssyncadd.s32 $0xFFFFC000  }
0x74: {  	[spmem:s2] =	stream.indirect.scatter.add.f32 [tilespmem:s30], [sflag:$0x3], $0x80, s29, s6, $0xb8;
	[tilespmem:$0x1BE00] =	vst v63  }
0x75: {  	_ =	swait.ge [sflag:s28], $0x4000  }
0x76: {  	s31 =	smul.u32 $0x2780, s0;
	[sflag:s28] =	ssyncset.done $0x0  }
0x77: {  	[sflag:s28] =	ssyncadd.s32 $0xFFFFC000  }
0x78: {  	s2 =	sadd.s32 s31, s19;
	[bflag:$0x0] =	sbarrier.arrive $0xFFFF  }
0x79: {  	[hbm:s2], [sflag:s3] =	dma.local [spmem:s4], $0x2780  }
0x7a: {  	_ =	swait.ge [sflag:s28], $0x2780  }
0x7b: {  	[sflag:s28] =	ssyncset.done $0x0  }
0x7c: {  	[sflag:s28] =	ssyncadd.s32 $0xFFFFD880  }
0x7d: {  	_ =	sfence.sel $0x180000  }
0x7e: {  	[bflag:$0x0] =	sbarrier.arrive $0xFFFF  }
0x7f: {  	p0 =	sne.s32 s0, $0x0;
	_ =	strace $0x9000004A  }
0x80: {  	s0 =	sadd.s32 @!p0 $0x100000, s1;
	[bflag:$0x2] =	sbarrier.arrive $0xFFFF  }
0x81: {  	[sflag:s0] =	ssyncadd.tile.s32 @!p0 $0x1;
	_ =	shalt  }
.Lfunc_end2:
_tile_overlayer_lowered:
.L_overlay_start_2:
0x82: {  	(tag) =	ssettag $0x2  }
0x83: {  	s0 =	rddreg [dreg:$0x0];
	s2 =	stileid.u32  }
0x84: {  	s1 =	rddreg [dreg:$0x1];
	p0 =	sne.s32 s2, $0x0  }
0x85: {  	s3 =	rddreg [dreg:$0x2];
	[bflag:$0x3] =	sbarrier.arrive $0xFFFF;
	s2 =	simm.s32 @!p0 $0x1C03  }
0x86: {  	[timem:s3], [sflag:s2] =	dma.local @!p0 [hbm:s0], s1  }
0x87: {  	s0 =	simm.s32 @!p0 $0x3  }
0x88: {  	_ =	swait.ge @!p0 [sflag:s0], s1  }
0x89: {  	s1 =	ssub.s32 @!p0 $0x0, s1;
	[sflag:s0] =	ssyncset.done @!p0 $0x0  }
0x8a: {  	[sflag:s0] =	ssyncadd.s32 @!p0 s1  }
0x8b: {  	[bflag:$0x3] =	sbarrier.arrive $0xFFFF  }
0x8c: {  	_ =	shalt  }

</sc_bundles>
